<compile_context>
chip_gen: v7x
topology: tpu7x:2x2x1
jax: 0.10.2.dev20260603
libtpu: 0.0.44.dev20260713+nightly
codegen_flags: <defaults>
</compile_context>

<pallas_src>
import functools

import jax
import jax.numpy as jnp
from jax import lax
from jax.experimental import pallas as pl
from jax.experimental.pallas import tpu as pltpu
from jax.experimental.pallas import tpu_sc as plsc

N = 8192
KEY_DIM = 512
VAL_DIM = 256
HID = 256
CB = 8192

BLK = 512


def _search_body(x_ref, w_ref, b_ref, cb_ref, enc_ref, idx_ref, b2_ref, cbbf_ref):
    i = pl.program_id(0)
    xb = x_ref[...]
    wb = w_ref[...]
    enc = lax.dot_general(
        xb.astype(jnp.bfloat16), wb.astype(jnp.bfloat16),
        (((1,), (1,)), ((), ())), preferred_element_type=jnp.float32,
    ) + b_ref[...]
    enc_ref[...] = enc

    @pl.when(i == 0)
    def _init():
        cbf = cb_ref[...]
        b2col = jnp.sum(cbf * cbf, axis=1, keepdims=True)
        b2_ref[...] = lax.transpose(b2col, (1, 0))
        cbbf_ref[...] = cbf.astype(jnp.bfloat16)

    ab = lax.dot_general(
        enc.astype(jnp.bfloat16), cbbf_ref[...],
        (((1,), (1,)), ((), ())), preferred_element_type=jnp.float32,
    )
    s = b2_ref[...] - 2.0 * ab
    idx = jnp.argmin(s, axis=1).reshape(BLK, 1)
    idx_ref[...] = idx.astype(jnp.int32)


def _search(x, w, b, cb, in_dim):
    nblk = N // BLK
    enc, idx3 = pl.pallas_call(
        _search_body,
        grid=(nblk,),
        in_specs=[
            pl.BlockSpec((BLK, in_dim), lambda i: (i, 0)),
            pl.BlockSpec((HID, in_dim), lambda i: (0, 0)),
            pl.BlockSpec((1, HID), lambda i: (0, 0)),
            pl.BlockSpec((CB, HID), lambda i: (0, 0)),
        ],
        out_specs=[
            pl.BlockSpec((BLK, HID), lambda i: (i, 0)),
            pl.BlockSpec((BLK, 1), lambda i: (i, 0)),
        ],
        out_shape=[
            jax.ShapeDtypeStruct((N, HID), jnp.float32),
            jax.ShapeDtypeStruct((N, 1), jnp.int32),
        ],
        scratch_shapes=[
            pltpu.VMEM((1, CB), jnp.float32),
            pltpu.VMEM((CB, HID), jnp.bfloat16),
        ],
    )(x, w, b.reshape(1, HID), cb)
    return enc, idx3.reshape(N)


def _sc_gather(cb_k, idx_k, cb_v, idx_v):
    info = plsc.get_sparse_core_info()
    nw = info.num_cores * info.num_subcores
    chunk = 128
    per_w = N // nw
    nch = per_w // chunk
    mesh = plsc.VectorSubcoreMesh(core_axis_name="c", subcore_axis_name="s")

    @functools.partial(
        pl.kernel,
        mesh=mesh,
        out_type=[
            jax.ShapeDtypeStruct((N, HID), jnp.float32),
            jax.ShapeDtypeStruct((N, VAL_DIM), jnp.float32),
        ],
        scratch_types=[
            pltpu.VMEM((chunk,), jnp.int32),
            pltpu.VMEM((chunk, HID), jnp.float32),
            pltpu.SemaphoreType.DMA,
        ],
    )
    def k(cbk_hbm, ik_hbm, cbv_hbm, iv_hbm, ok_hbm, ov_hbm, idx_buf, rows, sem):
        wid = lax.axis_index("s") * info.num_cores + lax.axis_index("c")
        base = wid * per_w
        for t_hbm, i_hbm, o_hbm in (
            (cbk_hbm, ik_hbm, ok_hbm),
            (cbv_hbm, iv_hbm, ov_hbm),
        ):
            for c in range(nch):
                off = base + c * chunk
                pltpu.sync_copy(i_hbm.at[pl.ds(off, chunk)], idx_buf)
                pltpu.async_copy(t_hbm.at[idx_buf], rows, sem).wait()
                pltpu.sync_copy(rows, o_hbm.at[pl.ds(off, chunk)])

    return k(cb_k, idx_k, cb_v, idx_v)


def _decode_body(enc_ref, q_ref, w_ref, b_ref, st_ref, dec_ref):
    enc = enc_ref[...]
    q = q_ref[...]
    st = enc + (q - enc)
    st_ref[...] = st
    dec_ref[...] = lax.dot_general(
        st.astype(jnp.bfloat16), w_ref[...].astype(jnp.bfloat16),
        (((1,), (1,)), ((), ())), preferred_element_type=jnp.float32,
    ) + b_ref[...]


def _decode(enc, q, w, b, out_dim):
    nblk = N // BLK
    st, dec = pl.pallas_call(
        _decode_body,
        grid=(nblk,),
        in_specs=[
            pl.BlockSpec((BLK, HID), lambda i: (i, 0)),
            pl.BlockSpec((BLK, HID), lambda i: (i, 0)),
            pl.BlockSpec((out_dim, HID), lambda i: (0, 0)),
            pl.BlockSpec((1, out_dim), lambda i: (0, 0)),
        ],
        out_specs=[
            pl.BlockSpec((BLK, HID), lambda i: (i, 0)),
            pl.BlockSpec((BLK, out_dim), lambda i: (i, 0)),
        ],
        out_shape=[
            jax.ShapeDtypeStruct((N, HID), jnp.float32),
            jax.ShapeDtypeStruct((N, out_dim), jnp.float32),
        ],
    )(enc, q, w, b.reshape(1, out_dim))
    return st, dec


def kernel(keys, values, W_enc_k, b_enc_k, W_dec_k, b_dec_k,
           W_enc_v, b_enc_v, W_dec_v, b_dec_v, cb_keys, cb_values):
    enc_k, idx_k = _search(keys, W_enc_k, b_enc_k, cb_keys, KEY_DIM)
    enc_v, idx_v = _search(values, W_enc_v, b_enc_v, cb_values, VAL_DIM)
    q_k, q_v = _sc_gather(cb_keys, idx_k, cb_values, idx_v)
    st_k, dec_k = _decode(enc_k, q_k, W_dec_k, b_dec_k, KEY_DIM)
    st_v, dec_v = _decode(enc_v, q_v, W_dec_v, b_dec_v, VAL_DIM)
    return dec_k, dec_v, enc_k, enc_v, st_k, st_v

# --- scband reference (transcript-rebuilt; emitter-appended) ---
"""Pipeline reference for scband-vqvae-55001351192889 (READ-ONLY COPY).

The authoritative reference and input builder live on the scoring server;
editing this copy changes nothing except your own understanding.
"""

import jax, jax.numpy as jnp
import numpy as np

N = 8192
KEY_DIM = 512
VAL_DIM = 256
HID = 256
CB = 8192

def _linear(x, W, b):
    return x @ W.T + b

def _cdist(a, b):
    a2 = jnp.sum(a * a, axis=1, keepdims=True)
    b2 = jnp.sum(b * b, axis=1, keepdims=True).T
    d2 = a2 + b2 - 2.0 * (a @ b.T)
    return jnp.sqrt(jnp.clip(d2, 0.0, None))

def setup_inputs(seed: int = 0) -> dict:
    key = jax.random.key(seed)
    ks = jax.random.split(key, 12)
    keys = jax.random.normal(ks[0], (N, KEY_DIM), dtype=jnp.float32)
    values = jax.random.normal(ks[1], (N, VAL_DIM), dtype=jnp.float32)
    W_enc_k = jax.random.normal(ks[2], (HID, KEY_DIM), dtype=jnp.float32) * 0.02
    b_enc_k = jnp.zeros((HID,), dtype=jnp.float32)
    W_dec_k = jax.random.normal(ks[3], (KEY_DIM, HID), dtype=jnp.float32) * 0.02
    b_dec_k = jnp.zeros((KEY_DIM,), dtype=jnp.float32)
    W_enc_v = jax.random.normal(ks[4], (VAL_DIM, VAL_DIM), dtype=jnp.float32) * 0.02
    b_enc_v = jnp.zeros((VAL_DIM,), dtype=jnp.float32)
    W_dec_v = jax.random.normal(ks[5], (VAL_DIM, VAL_DIM), dtype=jnp.float32) * 0.02
    b_dec_v = jnp.zeros((VAL_DIM,), dtype=jnp.float32)
    lim = 1.0 / CB
    cb_keys = jax.random.uniform(ks[6], (CB, HID), minval=-lim, maxval=lim, dtype=jnp.float32)
    cb_values = jax.random.uniform(ks[7], (CB, VAL_DIM), minval=-lim, maxval=lim, dtype=jnp.float32)
    return {"keys": keys, "values": values, "W_enc_k": W_enc_k, "b_enc_k": b_enc_k, "W_dec_k": W_dec_k, "b_dec_k": b_dec_k, "W_enc_v": W_enc_v, "b_enc_v": b_enc_v, "W_dec_v": W_dec_v, "b_dec_v": b_dec_v, "cb_keys": cb_keys, "cb_values": cb_values}

def reference(keys, values, W_enc_k, b_enc_k, W_dec_k, b_dec_k, W_enc_v, b_enc_v, W_dec_v, b_dec_v, cb_keys, cb_values):
    encoded_keys = _linear(keys, W_enc_k, b_enc_k)
    encoded_values = _linear(values, W_enc_v, b_enc_v)
    keys_flat = encoded_keys.reshape(-1, HID)
    key_indices = jnp.argmin(_cdist(keys_flat, cb_keys), axis=1)
    quantized_keys = jnp.take(cb_keys, key_indices, axis=0).reshape(encoded_keys.shape)
    values_flat = encoded_values.reshape(-1, VAL_DIM)
    value_indices = jnp.argmin(_cdist(values_flat, cb_values), axis=1)
    quantized_values = jnp.take(cb_values, value_indices, axis=0).reshape(encoded_values.shape)
    quantized_keys = encoded_keys + jax.lax.stop_gradient(quantized_keys - encoded_keys)
    quantized_values = encoded_values + jax.lax.stop_gradient(quantized_values - encoded_values)
    decoded_keys = _linear(quantized_keys, W_dec_k, b_dec_k)
    decoded_values = _linear(quantized_values, W_dec_v, b_dec_v)
    return (decoded_keys, decoded_values, encoded_keys, encoded_values, quantized_keys, quantized_values)

if __name__ == "__main__":
    import jax
    _d = setup_inputs()
    print(jax.jit(kernel)(*tuple(_d.values())))

</pallas_src>

<mosaic_0001>
#map = affine_map<(d0, d1) -> (0, 0)>
#map1 = affine_map<(d0, d1) -> (0)>
module attributes {stable_mosaic.version = 14 : i64} {
  func.func @k(%arg0: i32, %arg1: i32, %arg2: memref<8192x256xf32, #tpu.memory_space<hbm>>, %arg3: memref<8192xi32, #tpu.memory_space<hbm>>, %arg4: memref<8192x256xf32, #tpu.memory_space<hbm>>, %arg5: memref<8192xi32, #tpu.memory_space<hbm>>, %arg6: memref<8192x256xf32, #tpu.memory_space<hbm>>, %arg7: memref<8192x256xf32, #tpu.memory_space<hbm>>, %arg8: memref<128xi32, #tpu.memory_space<vmem>>, %arg9: memref<128x256xf32, #tpu.memory_space<vmem>>, %arg10: memref<!tpu.dma_semaphore, #tpu.memory_space<semaphore_mem>>) attributes {dimension_semantics = [#tpu.dimension_semantics<core_parallel>, #tpu.dimension_semantics<subcore_parallel>], iteration_bounds = array<i64: 2, 16>, scalar_prefetch = 0 : i64, scratch_operands = 3 : i64, tpu.core_type = #tpu.core_type<sc_vector_subcore>, window_params = [{transform_indices = #map}, {transform_indices = #map1}, {transform_indices = #map}, {transform_indices = #map1}, {transform_indices = #map}, {transform_indices = #map}]} {
    %mul3A = arith.constant 2 : i32
    %mul3A_0 = arith.muli %arg1, %mul3A : i32
    %add3A = arith.addi %mul3A_0, %arg0 : i32
    %mul3A_1 = arith.constant 256 : i32
    %mul3A_2 = arith.muli %add3A, %mul3A_1 : i32
    %add3A_3 = arith.constant 0 : i32
    %add3A_4 = arith.addi %mul3A_2, %add3A_3 : i32
    "tpu.region"() ({
      %run_scoped3A = tpu.sem_alloc : memref<!tpu.dma_semaphore, #tpu.memory_space<semaphore_mem>>
      %dma_start3A_33 = tpu.memref_slice %arg3[%add3A_4] : memref<8192xi32, #tpu.memory_space<hbm>> -> memref<128xi32, #tpu.memory_space<hbm>>
      %dma_start3A_34 = tpu.memref_slice %arg3[%add3A_4] : memref<8192xi32, #tpu.memory_space<hbm>> -> memref<128xi32, #tpu.memory_space<hbm>>
      tpu.enqueue_dma source(%dma_start3A_34 : memref<128xi32, #tpu.memory_space<hbm>>) target(%arg8 : memref<128xi32, #tpu.memory_space<vmem>>) target_semaphore(%run_scoped3A : memref<!tpu.dma_semaphore, #tpu.memory_space<semaphore_mem>>)
      %dma_wait3A_35 = tpu.memref_slice %arg3[%add3A_4] : memref<8192xi32, #tpu.memory_space<hbm>> -> memref<128xi32, #tpu.memory_space<hbm>>
      %dma_wait3A_36 = tpu.memref_slice %arg3[%add3A_4] : memref<8192xi32, #tpu.memory_space<hbm>> -> memref<128xi32, #tpu.memory_space<hbm>>
      tpu.wait_dma2 semaphore(%run_scoped3A : memref<!tpu.dma_semaphore, #tpu.memory_space<semaphore_mem>>) src(%dma_wait3A_36 : memref<128xi32, #tpu.memory_space<hbm>>) dst(%arg8 : memref<128xi32, #tpu.memory_space<vmem>>)
      tpu.yield
    }) : () -> ()
    %dma_start3A = arith.constant 0 : i32
    %dma_start3A_5 = arith.constant 0 : i32
    %dma_start3A_6 = tpu.memref_slice %arg2[%dma_start3A, %dma_start3A_5] : memref<8192x256xf32, #tpu.memory_space<hbm>> -> memref<8192x256xf32, #tpu.memory_space<hbm>>
    tpu.enqueue_indirect_dma source(%dma_start3A_6 : memref<8192x256xf32, #tpu.memory_space<hbm>>) target(%arg9 : memref<128x256xf32, #tpu.memory_space<vmem>>) offsets(%arg8 : memref<128xi32, #tpu.memory_space<vmem>>) semaphore(%arg10 : memref<!tpu.dma_semaphore, #tpu.memory_space<semaphore_mem>>)
    %dma_wait3A = arith.constant 0 : i32
    %dma_wait3A_7 = arith.constant 0 : i32
    %dma_wait3A_8 = tpu.memref_slice %arg2[%dma_wait3A, %dma_wait3A_7] : memref<8192x256xf32, #tpu.memory_space<hbm>> -> memref<8192x256xf32, #tpu.memory_space<hbm>>
    tpu.wait_indirect_dma semaphore(%arg10 : memref<!tpu.dma_semaphore, #tpu.memory_space<semaphore_mem>>) src(%dma_wait3A_8 : memref<8192x256xf32, #tpu.memory_space<hbm>>) dst(%arg9 : memref<128x256xf32, #tpu.memory_space<vmem>>)
    "tpu.region"() ({
      %run_scoped3A = tpu.sem_alloc : memref<!tpu.dma_semaphore, #tpu.memory_space<semaphore_mem>>
      %dma_start3A_33 = arith.constant 0 : i32
      %dma_start3A_34 = tpu.memref_slice %arg6[%add3A_4, %dma_start3A_33] : memref<8192x256xf32, #tpu.memory_space<hbm>> -> memref<128x256xf32, #tpu.memory_space<hbm>>
      %dma_start3A_35 = arith.constant 0 : i32
      %dma_start3A_36 = tpu.memref_slice %arg6[%add3A_4, %dma_start3A_35] : memref<8192x256xf32, #tpu.memory_space<hbm>> -> memref<128x256xf32, #tpu.memory_space<hbm>>
      tpu.enqueue_dma source(%arg9 : memref<128x256xf32, #tpu.memory_space<vmem>>) target(%dma_start3A_36 : memref<128x256xf32, #tpu.memory_space<hbm>>) target_semaphore(%run_scoped3A : memref<!tpu.dma_semaphore, #tpu.memory_space<semaphore_mem>>)
      %dma_wait3A_37 = arith.constant 0 : i32
      %dma_wait3A_38 = tpu.memref_slice %arg6[%add3A_4, %dma_wait3A_37] : memref<8192x256xf32, #tpu.memory_space<hbm>> -> memref<128x256xf32, #tpu.memory_space<hbm>>
      %dma_wait3A_39 = arith.constant 0 : i32
      %dma_wait3A_40 = tpu.memref_slice %arg6[%add3A_4, %dma_wait3A_39] : memref<8192x256xf32, #tpu.memory_space<hbm>> -> memref<128x256xf32, #tpu.memory_space<hbm>>
      tpu.wait_dma2 semaphore(%run_scoped3A : memref<!tpu.dma_semaphore, #tpu.memory_space<semaphore_mem>>) src(%arg9 : memref<128x256xf32, #tpu.memory_space<vmem>>) dst(%dma_wait3A_40 : memref<128x256xf32, #tpu.memory_space<hbm>>)
      tpu.yield
    }) : () -> ()
    %add3A_9 = arith.constant 128 : i32
    %add3A_10 = arith.addi %mul3A_2, %add3A_9 : i32
    "tpu.region"() ({
      %run_scoped3A = tpu.sem_alloc : memref<!tpu.dma_semaphore, #tpu.memory_space<semaphore_mem>>
      %dma_start3A_33 = tpu.memref_slice %arg3[%add3A_10] : memref<8192xi32, #tpu.memory_space<hbm>> -> memref<128xi32, #tpu.memory_space<hbm>>
      %dma_start3A_34 = tpu.memref_slice %arg3[%add3A_10] : memref<8192xi32, #tpu.memory_space<hbm>> -> memref<128xi32, #tpu.memory_space<hbm>>
      tpu.enqueue_dma source(%dma_start3A_34 : memref<128xi32, #tpu.memory_space<hbm>>) target(%arg8 : memref<128xi32, #tpu.memory_space<vmem>>) target_semaphore(%run_scoped3A : memref<!tpu.dma_semaphore, #tpu.memory_space<semaphore_mem>>)
      %dma_wait3A_35 = tpu.memref_slice %arg3[%add3A_10] : memref<8192xi32, #tpu.memory_space<hbm>> -> memref<128xi32, #tpu.memory_space<hbm>>
      %dma_wait3A_36 = tpu.memref_slice %arg3[%add3A_10] : memref<8192xi32, #tpu.memory_space<hbm>> -> memref<128xi32, #tpu.memory_space<hbm>>
      tpu.wait_dma2 semaphore(%run_scoped3A : memref<!tpu.dma_semaphore, #tpu.memory_space<semaphore_mem>>) src(%dma_wait3A_36 : memref<128xi32, #tpu.memory_space<hbm>>) dst(%arg8 : memref<128xi32, #tpu.memory_space<vmem>>)
      tpu.yield
    }) : () -> ()
    %dma_start3A_11 = arith.constant 0 : i32
    %dma_start3A_12 = arith.constant 0 : i32
    %dma_start3A_13 = tpu.memref_slice %arg2[%dma_start3A_11, %dma_start3A_12] : memref<8192x256xf32, #tpu.memory_space<hbm>> -> memref<8192x256xf32, #tpu.memory_space<hbm>>
    tpu.enqueue_indirect_dma source(%dma_start3A_13 : memref<8192x256xf32, #tpu.memory_space<hbm>>) target(%arg9 : memref<128x256xf32, #tpu.memory_space<vmem>>) offsets(%arg8 : memref<128xi32, #tpu.memory_space<vmem>>) semaphore(%arg10 : memref<!tpu.dma_semaphore, #tpu.memory_space<semaphore_mem>>)
    %dma_wait3A_14 = arith.constant 0 : i32
    %dma_wait3A_15 = arith.constant 0 : i32
    %dma_wait3A_16 = tpu.memref_slice %arg2[%dma_wait3A_14, %dma_wait3A_15] : memref<8192x256xf32, #tpu.memory_space<hbm>> -> memref<8192x256xf32, #tpu.memory_space<hbm>>
    tpu.wait_indirect_dma semaphore(%arg10 : memref<!tpu.dma_semaphore, #tpu.memory_space<semaphore_mem>>) src(%dma_wait3A_16 : memref<8192x256xf32, #tpu.memory_space<hbm>>) dst(%arg9 : memref<128x256xf32, #tpu.memory_space<vmem>>)
    "tpu.region"() ({
      %run_scoped3A = tpu.sem_alloc : memref<!tpu.dma_semaphore, #tpu.memory_space<semaphore_mem>>
      %dma_start3A_33 = arith.constant 0 : i32
      %dma_start3A_34 = tpu.memref_slice %arg6[%add3A_10, %dma_start3A_33] : memref<8192x256xf32, #tpu.memory_space<hbm>> -> memref<128x256xf32, #tpu.memory_space<hbm>>
      %dma_start3A_35 = arith.constant 0 : i32
      %dma_start3A_36 = tpu.memref_slice %arg6[%add3A_10, %dma_start3A_35] : memref<8192x256xf32, #tpu.memory_space<hbm>> -> memref<128x256xf32, #tpu.memory_space<hbm>>
      tpu.enqueue_dma source(%arg9 : memref<128x256xf32, #tpu.memory_space<vmem>>) target(%dma_start3A_36 : memref<128x256xf32, #tpu.memory_space<hbm>>) target_semaphore(%run_scoped3A : memref<!tpu.dma_semaphore, #tpu.memory_space<semaphore_mem>>)
      %dma_wait3A_37 = arith.constant 0 : i32
      %dma_wait3A_38 = tpu.memref_slice %arg6[%add3A_10, %dma_wait3A_37] : memref<8192x256xf32, #tpu.memory_space<hbm>> -> memref<128x256xf32, #tpu.memory_space<hbm>>
      %dma_wait3A_39 = arith.constant 0 : i32
      %dma_wait3A_40 = tpu.memref_slice %arg6[%add3A_10, %dma_wait3A_39] : memref<8192x256xf32, #tpu.memory_space<hbm>> -> memref<128x256xf32, #tpu.memory_space<hbm>>
      tpu.wait_dma2 semaphore(%run_scoped3A : memref<!tpu.dma_semaphore, #tpu.memory_space<semaphore_mem>>) src(%arg9 : memref<128x256xf32, #tpu.memory_space<vmem>>) dst(%dma_wait3A_40 : memref<128x256xf32, #tpu.memory_space<hbm>>)
      tpu.yield
    }) : () -> ()
    %add3A_17 = arith.constant 0 : i32
    %add3A_18 = arith.addi %mul3A_2, %add3A_17 : i32
    "tpu.region"() ({
      %run_scoped3A = tpu.sem_alloc : memref<!tpu.dma_semaphore, #tpu.memory_space<semaphore_mem>>
      %dma_start3A_33 = tpu.memref_slice %arg5[%add3A_18] : memref<8192xi32, #tpu.memory_space<hbm>> -> memref<128xi32, #tpu.memory_space<hbm>>
      %dma_start3A_34 = tpu.memref_slice %arg5[%add3A_18] : memref<8192xi32, #tpu.memory_space<hbm>> -> memref<128xi32, #tpu.memory_space<hbm>>
      tpu.enqueue_dma source(%dma_start3A_34 : memref<128xi32, #tpu.memory_space<hbm>>) target(%arg8 : memref<128xi32, #tpu.memory_space<vmem>>) target_semaphore(%run_scoped3A : memref<!tpu.dma_semaphore, #tpu.memory_space<semaphore_mem>>)
      %dma_wait3A_35 = tpu.memref_slice %arg5[%add3A_18] : memref<8192xi32, #tpu.memory_space<hbm>> -> memref<128xi32, #tpu.memory_space<hbm>>
      %dma_wait3A_36 = tpu.memref_slice %arg5[%add3A_18] : memref<8192xi32, #tpu.memory_space<hbm>> -> memref<128xi32, #tpu.memory_space<hbm>>
      tpu.wait_dma2 semaphore(%run_scoped3A : memref<!tpu.dma_semaphore, #tpu.memory_space<semaphore_mem>>) src(%dma_wait3A_36 : memref<128xi32, #tpu.memory_space<hbm>>) dst(%arg8 : memref<128xi32, #tpu.memory_space<vmem>>)
      tpu.yield
    }) : () -> ()
    %dma_start3A_19 = arith.constant 0 : i32
    %dma_start3A_20 = arith.constant 0 : i32
    %dma_start3A_21 = tpu.memref_slice %arg4[%dma_start3A_19, %dma_start3A_20] : memref<8192x256xf32, #tpu.memory_space<hbm>> -> memref<8192x256xf32, #tpu.memory_space<hbm>>
    tpu.enqueue_indirect_dma source(%dma_start3A_21 : memref<8192x256xf32, #tpu.memory_space<hbm>>) target(%arg9 : memref<128x256xf32, #tpu.memory_space<vmem>>) offsets(%arg8 : memref<128xi32, #tpu.memory_space<vmem>>) semaphore(%arg10 : memref<!tpu.dma_semaphore, #tpu.memory_space<semaphore_mem>>)
    %dma_wait3A_22 = arith.constant 0 : i32
    %dma_wait3A_23 = arith.constant 0 : i32
    %dma_wait3A_24 = tpu.memref_slice %arg4[%dma_wait3A_22, %dma_wait3A_23] : memref<8192x256xf32, #tpu.memory_space<hbm>> -> memref<8192x256xf32, #tpu.memory_space<hbm>>
    tpu.wait_indirect_dma semaphore(%arg10 : memref<!tpu.dma_semaphore, #tpu.memory_space<semaphore_mem>>) src(%dma_wait3A_24 : memref<8192x256xf32, #tpu.memory_space<hbm>>) dst(%arg9 : memref<128x256xf32, #tpu.memory_space<vmem>>)
    "tpu.region"() ({
      %run_scoped3A = tpu.sem_alloc : memref<!tpu.dma_semaphore, #tpu.memory_space<semaphore_mem>>
      %dma_start3A_33 = arith.constant 0 : i32
      %dma_start3A_34 = tpu.memref_slice %arg7[%add3A_18, %dma_start3A_33] : memref<8192x256xf32, #tpu.memory_space<hbm>> -> memref<128x256xf32, #tpu.memory_space<hbm>>
      %dma_start3A_35 = arith.constant 0 : i32
      %dma_start3A_36 = tpu.memref_slice %arg7[%add3A_18, %dma_start3A_35] : memref<8192x256xf32, #tpu.memory_space<hbm>> -> memref<128x256xf32, #tpu.memory_space<hbm>>
      tpu.enqueue_dma source(%arg9 : memref<128x256xf32, #tpu.memory_space<vmem>>) target(%dma_start3A_36 : memref<128x256xf32, #tpu.memory_space<hbm>>) target_semaphore(%run_scoped3A : memref<!tpu.dma_semaphore, #tpu.memory_space<semaphore_mem>>)
      %dma_wait3A_37 = arith.constant 0 : i32
      %dma_wait3A_38 = tpu.memref_slice %arg7[%add3A_18, %dma_wait3A_37] : memref<8192x256xf32, #tpu.memory_space<hbm>> -> memref<128x256xf32, #tpu.memory_space<hbm>>
      %dma_wait3A_39 = arith.constant 0 : i32
      %dma_wait3A_40 = tpu.memref_slice %arg7[%add3A_18, %dma_wait3A_39] : memref<8192x256xf32, #tpu.memory_space<hbm>> -> memref<128x256xf32, #tpu.memory_space<hbm>>
      tpu.wait_dma2 semaphore(%run_scoped3A : memref<!tpu.dma_semaphore, #tpu.memory_space<semaphore_mem>>) src(%arg9 : memref<128x256xf32, #tpu.memory_space<vmem>>) dst(%dma_wait3A_40 : memref<128x256xf32, #tpu.memory_space<hbm>>)
      tpu.yield
    }) : () -> ()
    %add3A_25 = arith.constant 128 : i32
    %add3A_26 = arith.addi %mul3A_2, %add3A_25 : i32
    "tpu.region"() ({
      %run_scoped3A = tpu.sem_alloc : memref<!tpu.dma_semaphore, #tpu.memory_space<semaphore_mem>>
      %dma_start3A_33 = tpu.memref_slice %arg5[%add3A_26] : memref<8192xi32, #tpu.memory_space<hbm>> -> memref<128xi32, #tpu.memory_space<hbm>>
      %dma_start3A_34 = tpu.memref_slice %arg5[%add3A_26] : memref<8192xi32, #tpu.memory_space<hbm>> -> memref<128xi32, #tpu.memory_space<hbm>>
      tpu.enqueue_dma source(%dma_start3A_34 : memref<128xi32, #tpu.memory_space<hbm>>) target(%arg8 : memref<128xi32, #tpu.memory_space<vmem>>) target_semaphore(%run_scoped3A : memref<!tpu.dma_semaphore, #tpu.memory_space<semaphore_mem>>)
      %dma_wait3A_35 = tpu.memref_slice %arg5[%add3A_26] : memref<8192xi32, #tpu.memory_space<hbm>> -> memref<128xi32, #tpu.memory_space<hbm>>
      %dma_wait3A_36 = tpu.memref_slice %arg5[%add3A_26] : memref<8192xi32, #tpu.memory_space<hbm>> -> memref<128xi32, #tpu.memory_space<hbm>>
      tpu.wait_dma2 semaphore(%run_scoped3A : memref<!tpu.dma_semaphore, #tpu.memory_space<semaphore_mem>>) src(%dma_wait3A_36 : memref<128xi32, #tpu.memory_space<hbm>>) dst(%arg8 : memref<128xi32, #tpu.memory_space<vmem>>)
      tpu.yield
    }) : () -> ()
    %dma_start3A_27 = arith.constant 0 : i32
    %dma_start3A_28 = arith.constant 0 : i32
    %dma_start3A_29 = tpu.memref_slice %arg4[%dma_start3A_27, %dma_start3A_28] : memref<8192x256xf32, #tpu.memory_space<hbm>> -> memref<8192x256xf32, #tpu.memory_space<hbm>>
    tpu.enqueue_indirect_dma source(%dma_start3A_29 : memref<8192x256xf32, #tpu.memory_space<hbm>>) target(%arg9 : memref<128x256xf32, #tpu.memory_space<vmem>>) offsets(%arg8 : memref<128xi32, #tpu.memory_space<vmem>>) semaphore(%arg10 : memref<!tpu.dma_semaphore, #tpu.memory_space<semaphore_mem>>)
    %dma_wait3A_30 = arith.constant 0 : i32
    %dma_wait3A_31 = arith.constant 0 : i32
    %dma_wait3A_32 = tpu.memref_slice %arg4[%dma_wait3A_30, %dma_wait3A_31] : memref<8192x256xf32, #tpu.memory_space<hbm>> -> memref<8192x256xf32, #tpu.memory_space<hbm>>
    tpu.wait_indirect_dma semaphore(%arg10 : memref<!tpu.dma_semaphore, #tpu.memory_space<semaphore_mem>>) src(%dma_wait3A_32 : memref<8192x256xf32, #tpu.memory_space<hbm>>) dst(%arg9 : memref<128x256xf32, #tpu.memory_space<vmem>>)
    "tpu.region"() ({
      %run_scoped3A = tpu.sem_alloc : memref<!tpu.dma_semaphore, #tpu.memory_space<semaphore_mem>>
      %dma_start3A_33 = arith.constant 0 : i32
      %dma_start3A_34 = tpu.memref_slice %arg7[%add3A_26, %dma_start3A_33] : memref<8192x256xf32, #tpu.memory_space<hbm>> -> memref<128x256xf32, #tpu.memory_space<hbm>>
      %dma_start3A_35 = arith.constant 0 : i32
      %dma_start3A_36 = tpu.memref_slice %arg7[%add3A_26, %dma_start3A_35] : memref<8192x256xf32, #tpu.memory_space<hbm>> -> memref<128x256xf32, #tpu.memory_space<hbm>>
      tpu.enqueue_dma source(%arg9 : memref<128x256xf32, #tpu.memory_space<vmem>>) target(%dma_start3A_36 : memref<128x256xf32, #tpu.memory_space<hbm>>) target_semaphore(%run_scoped3A : memref<!tpu.dma_semaphore, #tpu.memory_space<semaphore_mem>>)
      %dma_wait3A_37 = arith.constant 0 : i32
      %dma_wait3A_38 = tpu.memref_slice %arg7[%add3A_26, %dma_wait3A_37] : memref<8192x256xf32, #tpu.memory_space<hbm>> -> memref<128x256xf32, #tpu.memory_space<hbm>>
      %dma_wait3A_39 = arith.constant 0 : i32
      %dma_wait3A_40 = tpu.memref_slice %arg7[%add3A_26, %dma_wait3A_39] : memref<8192x256xf32, #tpu.memory_space<hbm>> -> memref<128x256xf32, #tpu.memory_space<hbm>>
      tpu.wait_dma2 semaphore(%run_scoped3A : memref<!tpu.dma_semaphore, #tpu.memory_space<semaphore_mem>>) src(%arg9 : memref<128x256xf32, #tpu.memory_space<vmem>>) dst(%dma_wait3A_40 : memref<128x256xf32, #tpu.memory_space<hbm>>)
      tpu.yield
    }) : () -> ()
    return
  }
}

module attributes {stable_mosaic.version = 14 : i64} {
  func.func @_decode_body(%arg0: i32, %arg1: memref<512x256xf32, #tpu.memory_space<vmem>>, %arg2: memref<512x256xf32, #tpu.memory_space<vmem>>, %arg3: memref<512x256xf32, #tpu.memory_space<vmem>>, %arg4: memref<1x512xf32, #tpu.memory_space<vmem>>, %arg5: memref<512x256xf32, #tpu.memory_space<vmem>>, %arg6: memref<512x512xf32, #tpu.memory_space<vmem>>) attributes {dimension_semantics = [#tpu.dimension_semantics<arbitrary>], iteration_bounds = array<i64: 16>, scalar_prefetch = 0 : i64, scratch_operands = 0 : i64, tpu.core_type = #tpu.core_type<tc>, window_params = [{transform_indices = @transform_0, window_bounds = array<i64: 512, 256>}, {transform_indices = @transform_1, window_bounds = array<i64: 512, 256>}, {pipeline_mode = #tpu.pipeline_mode<synchronous>, transform_indices = @transform_2, window_bounds = array<i64: 512, 256>}, {pipeline_mode = #tpu.pipeline_mode<synchronous>, transform_indices = @transform_3, window_bounds = array<i64: 1, 512>}, {transform_indices = @transform_4, window_bounds = array<i64: 512, 256>}, {transform_indices = @transform_5, window_bounds = array<i64: 512, 512>}]} {
    %get3A = arith.constant 0 : index
    %get3A_0 = arith.constant 0 : index
    %get3A_1 = vector.load %arg1[%get3A, %get3A_0] : memref<512x256xf32, #tpu.memory_space<vmem>>, vector<512x256xf32>
    %get3A_2 = arith.constant 0 : index
    %get3A_3 = arith.constant 0 : index
    %get3A_4 = vector.load %arg2[%get3A_2, %get3A_3] : memref<512x256xf32, #tpu.memory_space<vmem>>, vector<512x256xf32>
    %sub3A = arith.subf %get3A_4, %get3A_1 : vector<512x256xf32>
    %add3A = arith.addf %get3A_1, %sub3A : vector<512x256xf32>
    %swap3A = arith.constant 0 : index
    %swap3A_5 = arith.constant 0 : index
    %swap3A_6 = vector.load %arg5[%swap3A, %swap3A_5] : memref<512x256xf32, #tpu.memory_space<vmem>>, vector<512x256xf32>
    tpu.vector_store %arg5[%swap3A, %swap3A_5], %add3A {strides = array<i32>} : memref<512x256xf32, #tpu.memory_space<vmem>>, vector<512x256xf32>,
    %convert_element_type3A = arith.truncf %add3A : vector<512x256xf32> to vector<512x256xbf16>
    %get3A_7 = arith.constant 0 : index
    %get3A_8 = arith.constant 0 : index
    %get3A_9 = vector.load %arg3[%get3A_7, %get3A_8] : memref<512x256xf32, #tpu.memory_space<vmem>>, vector<512x256xf32>
    %convert_element_type3A_10 = arith.truncf %get3A_9 : vector<512x256xf32> to vector<512x256xbf16>
    %dot_general3A = arith.constant dense<0.000000e+00> : vector<512x512xf32>
    %dot_general3A_11 = tpu.matmul %convert_element_type3A, %convert_element_type3A_10, %dot_general3A {dimension_numbers = #tpu.dot_dimension_numbers<[1], [1], [0], [0], [0, 0, 1, 0], [], []>, transpose_lhs_hint = false} : vector<512x256xbf16>, vector<512x256xbf16>, vector<512x512xf32> -> vector<512x512xf32>
    %get3A_12 = arith.constant 0 : index
    %get3A_13 = arith.constant 0 : index
    %get3A_14 = vector.load %arg4[%get3A_12, %get3A_13] : memref<1x512xf32, #tpu.memory_space<vmem>>, vector<1x512xf32>
    %add3A_15 = vector.broadcast %get3A_14 : vector<1x512xf32> to vector<512x512xf32>
    %add3A_16 = arith.addf %dot_general3A_11, %add3A_15 : vector<512x512xf32>
    %swap3A_17 = arith.constant 0 : index
    %swap3A_18 = arith.constant 0 : index
    %swap3A_19 = vector.load %arg6[%swap3A_17, %swap3A_18] : memref<512x512xf32, #tpu.memory_space<vmem>>, vector<512x512xf32>
    tpu.vector_store %arg6[%swap3A_17, %swap3A_18], %add3A_16 {strides = array<i32>} : memref<512x512xf32, #tpu.memory_space<vmem>>, vector<512x512xf32>,
    return
  }
  func.func @transform_0(%arg0: i32) -> (i32, i32) {
    %c0_i32 = arith.constant 0 : i32
    %c0_i32_0 = arith.constant 0 : i32
    return %arg0, %c0_i32 : i32, i32
  }
  func.func @transform_1(%arg0: i32) -> (i32, i32) {
    %c0_i32 = arith.constant 0 : i32
    %c0_i32_0 = arith.constant 0 : i32
    return %arg0, %c0_i32 : i32, i32
  }
  func.func @transform_2(%arg0: i32) -> (i32, i32) {
    %c0_i32 = arith.constant 0 : i32
    %c0_i32_0 = arith.constant 0 : i32
    %c0_i32_1 = arith.constant 0 : i32
    return %c0_i32, %c0_i32_0 : i32, i32
  }
  func.func @transform_3(%arg0: i32) -> (i32, i32) {
    %c0_i32 = arith.constant 0 : i32
    %c0_i32_0 = arith.constant 0 : i32
    %c0_i32_1 = arith.constant 0 : i32
    return %c0_i32, %c0_i32_0 : i32, i32
  }
  func.func @transform_4(%arg0: i32) -> (i32, i32) {
    %c0_i32 = arith.constant 0 : i32
    %c0_i32_0 = arith.constant 0 : i32
    return %arg0, %c0_i32 : i32, i32
  }
  func.func @transform_5(%arg0: i32) -> (i32, i32) {
    %c0_i32 = arith.constant 0 : i32
    %c0_i32_0 = arith.constant 0 : i32
    return %arg0, %c0_i32 : i32, i32
  }
}

module attributes {stable_mosaic.version = 14 : i64} {
  func.func @_search_body(%arg0: i32, %arg1: memref<512x256xf32, #tpu.memory_space<vmem>>, %arg2: memref<256x256xf32, #tpu.memory_space<vmem>>, %arg3: memref<1x256xf32, #tpu.memory_space<vmem>>, %arg4: memref<8192x256xf32, #tpu.memory_space<vmem>>, %arg5: memref<512x256xf32, #tpu.memory_space<vmem>>, %arg6: memref<512x1xi32, #tpu.memory_space<vmem>>, %arg7: memref<1x8192xf32, #tpu.memory_space<vmem>>, %arg8: memref<8192x256xbf16, #tpu.memory_space<vmem>>) attributes {dimension_semantics = [#tpu.dimension_semantics<arbitrary>], iteration_bounds = array<i64: 16>, scalar_prefetch = 0 : i64, scratch_operands = 2 : i64, tpu.core_type = #tpu.core_type<tc>, window_params = [{transform_indices = @transform_0, window_bounds = array<i64: 512, 256>}, {pipeline_mode = #tpu.pipeline_mode<synchronous>, transform_indices = @transform_1, window_bounds = array<i64: 256, 256>}, {pipeline_mode = #tpu.pipeline_mode<synchronous>, transform_indices = @transform_2, window_bounds = array<i64: 1, 256>}, {pipeline_mode = #tpu.pipeline_mode<synchronous>, transform_indices = @transform_3, window_bounds = array<i64: 8192, 256>}, {transform_indices = @transform_4, window_bounds = array<i64: 512, 256>}, {transform_indices = @transform_5, window_bounds = array<i64: 512, 1>}]} {
    %get3A = arith.constant 0 : index
    %get3A_0 = arith.constant 0 : index
    %get3A_1 = vector.load %arg1[%get3A, %get3A_0] : memref<512x256xf32, #tpu.memory_space<vmem>>, vector<512x256xf32>
    %get3A_2 = arith.constant 0 : index
    %get3A_3 = arith.constant 0 : index
    %get3A_4 = vector.load %arg2[%get3A_2, %get3A_3] : memref<256x256xf32, #tpu.memory_space<vmem>>, vector<256x256xf32>
    %convert_element_type3A = arith.truncf %get3A_1 : vector<512x256xf32> to vector<512x256xbf16>
    %convert_element_type3A_5 = arith.truncf %get3A_4 : vector<256x256xf32> to vector<256x256xbf16>
    %dot_general3A = arith.constant dense<0.000000e+00> : vector<512x256xf32>
    %dot_general3A_6 = tpu.matmul %convert_element_type3A, %convert_element_type3A_5, %dot_general3A {dimension_numbers = #tpu.dot_dimension_numbers<[1], [1], [0], [0], [0, 0, 1, 0], [], []>, transpose_lhs_hint = false} : vector<512x256xbf16>, vector<256x256xbf16>, vector<512x256xf32> -> vector<512x256xf32>
    %get3A_7 = arith.constant 0 : index
    %get3A_8 = arith.constant 0 : index
    %get3A_9 = vector.load %arg3[%get3A_7, %get3A_8] : memref<1x256xf32, #tpu.memory_space<vmem>>, vector<1x256xf32>
    %add3A = vector.broadcast %get3A_9 : vector<1x256xf32> to vector<512x256xf32>
    %add3A_10 = arith.addf %dot_general3A_6, %add3A : vector<512x256xf32>
    %swap3A = arith.constant 0 : index
    %swap3A_11 = arith.constant 0 : index
    %swap3A_12 = vector.load %arg5[%swap3A, %swap3A_11] : memref<512x256xf32, #tpu.memory_space<vmem>>, vector<512x256xf32>
    tpu.vector_store %arg5[%swap3A, %swap3A_11], %add3A_10 {strides = array<i32>} : memref<512x256xf32, #tpu.memory_space<vmem>>, vector<512x256xf32>,
    %eq3A = arith.constant 0 : i32
    %eq3A_13 = arith.cmpi eq, %arg0, %eq3A : i32
    %convert_element_type3A_14 = arith.extui %eq3A_13 : i1 to i32
    %cond3A = arith.constant 0 : i32
    %cond3A_15 = arith.cmpi ne, %convert_element_type3A_14, %cond3A : i32
    scf.if %cond3A_15 {
      %get3A_31 = arith.constant 0 : index
      %get3A_32 = arith.constant 0 : index
      %get3A_33 = vector.load %arg4[%get3A_31, %get3A_32] : memref<8192x256xf32, #tpu.memory_space<vmem>>, vector<8192x256xf32>
      %mul3A_34 = arith.mulf %get3A_33, %get3A_33 : vector<8192x256xf32>
      %reduce_sum3A = arith.constant dense<0.000000e+00> : vector<8192xf32>
      %reduce_sum3A_35 = vector.multi_reduction <add>, %mul3A_34, %reduce_sum3A [1] : vector<8192x256xf32> to vector<8192xf32>
      %broadcast_in_dim3A = vector.shape_cast %reduce_sum3A_35 : vector<8192xf32> to vector<8192x1xf32>
      %transpose3A = tpu.transpose %broadcast_in_dim3A, [1, 0] : vector<8192x1xf32> -> vector<1x8192xf32>
      %swap3A_36 = arith.constant 0 : index
      %swap3A_37 = arith.constant 0 : index
      %swap3A_38 = vector.load %arg7[%swap3A_36, %swap3A_37] : memref<1x8192xf32, #tpu.memory_space<vmem>>, vector<1x8192xf32>
      tpu.vector_store %arg7[%swap3A_36, %swap3A_37], %transpose3A {strides = array<i32>} : memref<1x8192xf32, #tpu.memory_space<vmem>>, vector<1x8192xf32>,
      %convert_element_type3A_39 = arith.truncf %get3A_33 : vector<8192x256xf32> to vector<8192x256xbf16>
      %swap3A_40 = arith.constant 0 : index
      %swap3A_41 = arith.constant 0 : index
      %swap3A_42 = vector.load %arg8[%swap3A_40, %swap3A_41] : memref<8192x256xbf16, #tpu.memory_space<vmem>>, vector<8192x256xbf16>
      tpu.vector_store %arg8[%swap3A_40, %swap3A_41], %convert_element_type3A_39 {strides = array<i32>} : memref<8192x256xbf16, #tpu.memory_space<vmem>>, vector<8192x256xbf16>,
    } else {
    }
    %convert_element_type3A_16 = arith.truncf %add3A_10 : vector<512x256xf32> to vector<512x256xbf16>
    %get3A_17 = arith.constant 0 : index
    %get3A_18 = arith.constant 0 : index
    %get3A_19 = vector.load %arg8[%get3A_17, %get3A_18] : memref<8192x256xbf16, #tpu.memory_space<vmem>>, vector<8192x256xbf16>
    %dot_general3A_20 = arith.constant dense<0.000000e+00> : vector<512x8192xf32>
    %dot_general3A_21 = tpu.matmul %convert_element_type3A_16, %get3A_19, %dot_general3A_20 {dimension_numbers = #tpu.dot_dimension_numbers<[1], [1], [0], [0], [0, 0, 1, 0], [], []>, transpose_lhs_hint = false} : vector<512x256xbf16>, vector<8192x256xbf16>, vector<512x8192xf32> -> vector<512x8192xf32>
    %get3A_22 = arith.constant 0 : index
    %get3A_23 = arith.constant 0 : index
    %get3A_24 = vector.load %arg7[%get3A_22, %get3A_23] : memref<1x8192xf32, #tpu.memory_space<vmem>>, vector<1x8192xf32>
    %mul3A = arith.constant 2.000000e+00 : f32
    %mul3A_25 = vector.broadcast %mul3A : f32 to vector<512x8192xf32>
    %mul3A_26 = arith.mulf %mul3A_25, %dot_general3A_21 : vector<512x8192xf32>
    %sub3A = vector.broadcast %get3A_24 : vector<1x8192xf32> to vector<512x8192xf32>
    %sub3A_27 = arith.subf %sub3A, %mul3A_26 : vector<512x8192xf32>
    %argmin3A = tpu.reduce_index %sub3A_27 {axis = 1 : i32, kind = #tpu.reduction_kind<arg_min>} : vector<512x8192xf32> -> vector<512xi32>
    %reshape3A = vector.shape_cast %argmin3A : vector<512xi32> to vector<512x1xi32>
    %swap3A_28 = arith.constant 0 : index
    %swap3A_29 = arith.constant 0 : index
    %swap3A_30 = vector.load %arg6[%swap3A_28, %swap3A_29] : memref<512x1xi32, #tpu.memory_space<vmem>>, vector<512x1xi32>
    tpu.vector_store %arg6[%swap3A_28, %swap3A_29], %reshape3A {strides = array<i32>} : memref<512x1xi32, #tpu.memory_space<vmem>>, vector<512x1xi32>,
    return
  }
  func.func @transform_0(%arg0: i32) -> (i32, i32) {
    %c0_i32 = arith.constant 0 : i32
    %c0_i32_0 = arith.constant 0 : i32
    return %arg0, %c0_i32 : i32, i32
  }
  func.func @transform_1(%arg0: i32) -> (i32, i32) {
    %c0_i32 = arith.constant 0 : i32
    %c0_i32_0 = arith.constant 0 : i32
    %c0_i32_1 = arith.constant 0 : i32
    return %c0_i32, %c0_i32_0 : i32, i32
  }
  func.func @transform_2(%arg0: i32) -> (i32, i32) {
    %c0_i32 = arith.constant 0 : i32
    %c0_i32_0 = arith.constant 0 : i32
    %c0_i32_1 = arith.constant 0 : i32
    return %c0_i32, %c0_i32_0 : i32, i32
  }
  func.func @transform_3(%arg0: i32) -> (i32, i32) {
    %c0_i32 = arith.constant 0 : i32
    %c0_i32_0 = arith.constant 0 : i32
    %c0_i32_1 = arith.constant 0 : i32
    return %c0_i32, %c0_i32_0 : i32, i32
  }
  func.func @transform_4(%arg0: i32) -> (i32, i32) {
    %c0_i32 = arith.constant 0 : i32
    %c0_i32_0 = arith.constant 0 : i32
    return %arg0, %c0_i32 : i32, i32
  }
  func.func @transform_5(%arg0: i32) -> (i32, i32) {
    %c0_i32 = arith.constant 0 : i32
    %c0_i32_0 = arith.constant 0 : i32
    return %arg0, %c0_i32 : i32, i32
  }
}

module attributes {stable_mosaic.version = 14 : i64} {
  func.func @_search_body(%arg0: i32, %arg1: memref<512x512xf32, #tpu.memory_space<vmem>>, %arg2: memref<256x512xf32, #tpu.memory_space<vmem>>, %arg3: memref<1x256xf32, #tpu.memory_space<vmem>>, %arg4: memref<8192x256xf32, #tpu.memory_space<vmem>>, %arg5: memref<512x256xf32, #tpu.memory_space<vmem>>, %arg6: memref<512x1xi32, #tpu.memory_space<vmem>>, %arg7: memref<1x8192xf32, #tpu.memory_space<vmem>>, %arg8: memref<8192x256xbf16, #tpu.memory_space<vmem>>) attributes {dimension_semantics = [#tpu.dimension_semantics<arbitrary>], iteration_bounds = array<i64: 16>, scalar_prefetch = 0 : i64, scratch_operands = 2 : i64, tpu.core_type = #tpu.core_type<tc>, window_params = [{transform_indices = @transform_0, window_bounds = array<i64: 512, 512>}, {pipeline_mode = #tpu.pipeline_mode<synchronous>, transform_indices = @transform_1, window_bounds = array<i64: 256, 512>}, {pipeline_mode = #tpu.pipeline_mode<synchronous>, transform_indices = @transform_2, window_bounds = array<i64: 1, 256>}, {pipeline_mode = #tpu.pipeline_mode<synchronous>, transform_indices = @transform_3, window_bounds = array<i64: 8192, 256>}, {transform_indices = @transform_4, window_bounds = array<i64: 512, 256>}, {transform_indices = @transform_5, window_bounds = array<i64: 512, 1>}]} {
    %get3A = arith.constant 0 : index
    %get3A_0 = arith.constant 0 : index
    %get3A_1 = vector.load %arg1[%get3A, %get3A_0] : memref<512x512xf32, #tpu.memory_space<vmem>>, vector<512x512xf32>
    %get3A_2 = arith.constant 0 : index
    %get3A_3 = arith.constant 0 : index
    %get3A_4 = vector.load %arg2[%get3A_2, %get3A_3] : memref<256x512xf32, #tpu.memory_space<vmem>>, vector<256x512xf32>
    %convert_element_type3A = arith.truncf %get3A_1 : vector<512x512xf32> to vector<512x512xbf16>
    %convert_element_type3A_5 = arith.truncf %get3A_4 : vector<256x512xf32> to vector<256x512xbf16>
    %dot_general3A = arith.constant dense<0.000000e+00> : vector<512x256xf32>
    %dot_general3A_6 = tpu.matmul %convert_element_type3A, %convert_element_type3A_5, %dot_general3A {dimension_numbers = #tpu.dot_dimension_numbers<[1], [1], [0], [0], [0, 0, 1, 0], [], []>, transpose_lhs_hint = false} : vector<512x512xbf16>, vector<256x512xbf16>, vector<512x256xf32> -> vector<512x256xf32>
    %get3A_7 = arith.constant 0 : index
    %get3A_8 = arith.constant 0 : index
    %get3A_9 = vector.load %arg3[%get3A_7, %get3A_8] : memref<1x256xf32, #tpu.memory_space<vmem>>, vector<1x256xf32>
    %add3A = vector.broadcast %get3A_9 : vector<1x256xf32> to vector<512x256xf32>
    %add3A_10 = arith.addf %dot_general3A_6, %add3A : vector<512x256xf32>
    %swap3A = arith.constant 0 : index
    %swap3A_11 = arith.constant 0 : index
    %swap3A_12 = vector.load %arg5[%swap3A, %swap3A_11] : memref<512x256xf32, #tpu.memory_space<vmem>>, vector<512x256xf32>
    tpu.vector_store %arg5[%swap3A, %swap3A_11], %add3A_10 {strides = array<i32>} : memref<512x256xf32, #tpu.memory_space<vmem>>, vector<512x256xf32>,
    %eq3A = arith.constant 0 : i32
    %eq3A_13 = arith.cmpi eq, %arg0, %eq3A : i32
    %convert_element_type3A_14 = arith.extui %eq3A_13 : i1 to i32
    %cond3A = arith.constant 0 : i32
    %cond3A_15 = arith.cmpi ne, %convert_element_type3A_14, %cond3A : i32
    scf.if %cond3A_15 {
      %get3A_31 = arith.constant 0 : index
      %get3A_32 = arith.constant 0 : index
      %get3A_33 = vector.load %arg4[%get3A_31, %get3A_32] : memref<8192x256xf32, #tpu.memory_space<vmem>>, vector<8192x256xf32>
      %mul3A_34 = arith.mulf %get3A_33, %get3A_33 : vector<8192x256xf32>
      %reduce_sum3A = arith.constant dense<0.000000e+00> : vector<8192xf32>
      %reduce_sum3A_35 = vector.multi_reduction <add>, %mul3A_34, %reduce_sum3A [1] : vector<8192x256xf32> to vector<8192xf32>
      %broadcast_in_dim3A = vector.shape_cast %reduce_sum3A_35 : vector<8192xf32> to vector<8192x1xf32>
      %transpose3A = tpu.transpose %broadcast_in_dim3A, [1, 0] : vector<8192x1xf32> -> vector<1x8192xf32>
      %swap3A_36 = arith.constant 0 : index
      %swap3A_37 = arith.constant 0 : index
      %swap3A_38 = vector.load %arg7[%swap3A_36, %swap3A_37] : memref<1x8192xf32, #tpu.memory_space<vmem>>, vector<1x8192xf32>
      tpu.vector_store %arg7[%swap3A_36, %swap3A_37], %transpose3A {strides = array<i32>} : memref<1x8192xf32, #tpu.memory_space<vmem>>, vector<1x8192xf32>,
      %convert_element_type3A_39 = arith.truncf %get3A_33 : vector<8192x256xf32> to vector<8192x256xbf16>
      %swap3A_40 = arith.constant 0 : index
      %swap3A_41 = arith.constant 0 : index
      %swap3A_42 = vector.load %arg8[%swap3A_40, %swap3A_41] : memref<8192x256xbf16, #tpu.memory_space<vmem>>, vector<8192x256xbf16>
      tpu.vector_store %arg8[%swap3A_40, %swap3A_41], %convert_element_type3A_39 {strides = array<i32>} : memref<8192x256xbf16, #tpu.memory_space<vmem>>, vector<8192x256xbf16>,
    } else {
    }
    %convert_element_type3A_16 = arith.truncf %add3A_10 : vector<512x256xf32> to vector<512x256xbf16>
    %get3A_17 = arith.constant 0 : index
    %get3A_18 = arith.constant 0 : index
    %get3A_19 = vector.load %arg8[%get3A_17, %get3A_18] : memref<8192x256xbf16, #tpu.memory_space<vmem>>, vector<8192x256xbf16>
    %dot_general3A_20 = arith.constant dense<0.000000e+00> : vector<512x8192xf32>
    %dot_general3A_21 = tpu.matmul %convert_element_type3A_16, %get3A_19, %dot_general3A_20 {dimension_numbers = #tpu.dot_dimension_numbers<[1], [1], [0], [0], [0, 0, 1, 0], [], []>, transpose_lhs_hint = false} : vector<512x256xbf16>, vector<8192x256xbf16>, vector<512x8192xf32> -> vector<512x8192xf32>
    %get3A_22 = arith.constant 0 : index
    %get3A_23 = arith.constant 0 : index
    %get3A_24 = vector.load %arg7[%get3A_22, %get3A_23] : memref<1x8192xf32, #tpu.memory_space<vmem>>, vector<1x8192xf32>
    %mul3A = arith.constant 2.000000e+00 : f32
    %mul3A_25 = vector.broadcast %mul3A : f32 to vector<512x8192xf32>
    %mul3A_26 = arith.mulf %mul3A_25, %dot_general3A_21 : vector<512x8192xf32>
    %sub3A = vector.broadcast %get3A_24 : vector<1x8192xf32> to vector<512x8192xf32>
    %sub3A_27 = arith.subf %sub3A, %mul3A_26 : vector<512x8192xf32>
    %argmin3A = tpu.reduce_index %sub3A_27 {axis = 1 : i32, kind = #tpu.reduction_kind<arg_min>} : vector<512x8192xf32> -> vector<512xi32>
    %reshape3A = vector.shape_cast %argmin3A : vector<512xi32> to vector<512x1xi32>
    %swap3A_28 = arith.constant 0 : index
    %swap3A_29 = arith.constant 0 : index
    %swap3A_30 = vector.load %arg6[%swap3A_28, %swap3A_29] : memref<512x1xi32, #tpu.memory_space<vmem>>, vector<512x1xi32>
    tpu.vector_store %arg6[%swap3A_28, %swap3A_29], %reshape3A {strides = array<i32>} : memref<512x1xi32, #tpu.memory_space<vmem>>, vector<512x1xi32>,
    return
  }
  func.func @transform_0(%arg0: i32) -> (i32, i32) {
    %c0_i32 = arith.constant 0 : i32
    %c0_i32_0 = arith.constant 0 : i32
    return %arg0, %c0_i32 : i32, i32
  }
  func.func @transform_1(%arg0: i32) -> (i32, i32) {
    %c0_i32 = arith.constant 0 : i32
    %c0_i32_0 = arith.constant 0 : i32
    %c0_i32_1 = arith.constant 0 : i32
    return %c0_i32, %c0_i32_0 : i32, i32
  }
  func.func @transform_2(%arg0: i32) -> (i32, i32) {
    %c0_i32 = arith.constant 0 : i32
    %c0_i32_0 = arith.constant 0 : i32
    %c0_i32_1 = arith.constant 0 : i32
    return %c0_i32, %c0_i32_0 : i32, i32
  }
  func.func @transform_3(%arg0: i32) -> (i32, i32) {
    %c0_i32 = arith.constant 0 : i32
    %c0_i32_0 = arith.constant 0 : i32
    %c0_i32_1 = arith.constant 0 : i32
    return %c0_i32, %c0_i32_0 : i32, i32
  }
  func.func @transform_4(%arg0: i32) -> (i32, i32) {
    %c0_i32 = arith.constant 0 : i32
    %c0_i32_0 = arith.constant 0 : i32
    return %arg0, %c0_i32 : i32, i32
  }
  func.func @transform_5(%arg0: i32) -> (i32, i32) {
    %c0_i32 = arith.constant 0 : i32
    %c0_i32_0 = arith.constant 0 : i32
    return %arg0, %c0_i32 : i32, i32
  }
}

module attributes {stable_mosaic.version = 14 : i64} {
  func.func @_decode_body(%arg0: i32, %arg1: memref<512x256xf32, #tpu.memory_space<vmem>>, %arg2: memref<512x256xf32, #tpu.memory_space<vmem>>, %arg3: memref<256x256xf32, #tpu.memory_space<vmem>>, %arg4: memref<1x256xf32, #tpu.memory_space<vmem>>, %arg5: memref<512x256xf32, #tpu.memory_space<vmem>>, %arg6: memref<512x256xf32, #tpu.memory_space<vmem>>) attributes {dimension_semantics = [#tpu.dimension_semantics<arbitrary>], iteration_bounds = array<i64: 16>, scalar_prefetch = 0 : i64, scratch_operands = 0 : i64, tpu.core_type = #tpu.core_type<tc>, window_params = [{transform_indices = @transform_0, window_bounds = array<i64: 512, 256>}, {transform_indices = @transform_1, window_bounds = array<i64: 512, 256>}, {pipeline_mode = #tpu.pipeline_mode<synchronous>, transform_indices = @transform_2, window_bounds = array<i64: 256, 256>}, {pipeline_mode = #tpu.pipeline_mode<synchronous>, transform_indices = @transform_3, window_bounds = array<i64: 1, 256>}, {transform_indices = @transform_4, window_bounds = array<i64: 512, 256>}, {transform_indices = @transform_5, window_bounds = array<i64: 512, 256>}]} {
    %get3A = arith.constant 0 : index
    %get3A_0 = arith.constant 0 : index
    %get3A_1 = vector.load %arg1[%get3A, %get3A_0] : memref<512x256xf32, #tpu.memory_space<vmem>>, vector<512x256xf32>
    %get3A_2 = arith.constant 0 : index
    %get3A_3 = arith.constant 0 : index
    %get3A_4 = vector.load %arg2[%get3A_2, %get3A_3] : memref<512x256xf32, #tpu.memory_space<vmem>>, vector<512x256xf32>
    %sub3A = arith.subf %get3A_4, %get3A_1 : vector<512x256xf32>
    %add3A = arith.addf %get3A_1, %sub3A : vector<512x256xf32>
    %swap3A = arith.constant 0 : index
    %swap3A_5 = arith.constant 0 : index
    %swap3A_6 = vector.load %arg5[%swap3A, %swap3A_5] : memref<512x256xf32, #tpu.memory_space<vmem>>, vector<512x256xf32>
    tpu.vector_store %arg5[%swap3A, %swap3A_5], %add3A {strides = array<i32>} : memref<512x256xf32, #tpu.memory_space<vmem>>, vector<512x256xf32>,
    %convert_element_type3A = arith.truncf %add3A : vector<512x256xf32> to vector<512x256xbf16>
    %get3A_7 = arith.constant 0 : index
    %get3A_8 = arith.constant 0 : index
    %get3A_9 = vector.load %arg3[%get3A_7, %get3A_8] : memref<256x256xf32, #tpu.memory_space<vmem>>, vector<256x256xf32>
    %convert_element_type3A_10 = arith.truncf %get3A_9 : vector<256x256xf32> to vector<256x256xbf16>
    %dot_general3A = arith.constant dense<0.000000e+00> : vector<512x256xf32>
    %dot_general3A_11 = tpu.matmul %convert_element_type3A, %convert_element_type3A_10, %dot_general3A {dimension_numbers = #tpu.dot_dimension_numbers<[1], [1], [0], [0], [0, 0, 1, 0], [], []>, transpose_lhs_hint = false} : vector<512x256xbf16>, vector<256x256xbf16>, vector<512x256xf32> -> vector<512x256xf32>
    %get3A_12 = arith.constant 0 : index
    %get3A_13 = arith.constant 0 : index
    %get3A_14 = vector.load %arg4[%get3A_12, %get3A_13] : memref<1x256xf32, #tpu.memory_space<vmem>>, vector<1x256xf32>
    %add3A_15 = vector.broadcast %get3A_14 : vector<1x256xf32> to vector<512x256xf32>
    %add3A_16 = arith.addf %dot_general3A_11, %add3A_15 : vector<512x256xf32>
    %swap3A_17 = arith.constant 0 : index
    %swap3A_18 = arith.constant 0 : index
    %swap3A_19 = vector.load %arg6[%swap3A_17, %swap3A_18] : memref<512x256xf32, #tpu.memory_space<vmem>>, vector<512x256xf32>
    tpu.vector_store %arg6[%swap3A_17, %swap3A_18], %add3A_16 {strides = array<i32>} : memref<512x256xf32, #tpu.memory_space<vmem>>, vector<512x256xf32>,
    return
  }
  func.func @transform_0(%arg0: i32) -> (i32, i32) {
    %c0_i32 = arith.constant 0 : i32
    %c0_i32_0 = arith.constant 0 : i32
    return %arg0, %c0_i32 : i32, i32
  }
  func.func @transform_1(%arg0: i32) -> (i32, i32) {
    %c0_i32 = arith.constant 0 : i32
    %c0_i32_0 = arith.constant 0 : i32
    return %arg0, %c0_i32 : i32, i32
  }
  func.func @transform_2(%arg0: i32) -> (i32, i32) {
    %c0_i32 = arith.constant 0 : i32
    %c0_i32_0 = arith.constant 0 : i32
    %c0_i32_1 = arith.constant 0 : i32
    return %c0_i32, %c0_i32_0 : i32, i32
  }
  func.func @transform_3(%arg0: i32) -> (i32, i32) {
    %c0_i32 = arith.constant 0 : i32
    %c0_i32_0 = arith.constant 0 : i32
    %c0_i32_1 = arith.constant 0 : i32
    return %c0_i32, %c0_i32_0 : i32, i32
  }
  func.func @transform_4(%arg0: i32) -> (i32, i32) {
    %c0_i32 = arith.constant 0 : i32
    %c0_i32_0 = arith.constant 0 : i32
    return %arg0, %c0_i32 : i32, i32
  }
  func.func @transform_5(%arg0: i32) -> (i32, i32) {
    %c0_i32 = arith.constant 0 : i32
    %c0_i32_0 = arith.constant 0 : i32
    return %arg0, %c0_i32 : i32, i32
  }
}

</mosaic_0001>

<sc_bundles>
// kernel: kernel.7.cloned.1.call-start
scs
__scs_entry_jumppad:
0x0: {  	(pc) =	sbr.rel $0x88, $3  }
0x1: {  	(tag) =	ssettag $0x0;
	lr =	simm.s32 $0x1  }
0x2: {  	[smem:$0x3F95] =	sst lr;
	_ =	strace $0xD0000000  }
0x3: {  	_ = 	snop  }
0x4: {  	_ = 	snop  }
0x5: {  	_ = 	snop  }
0x6: {  	_ = 	snop  }
0x7: {  	_ = 	snop  }
__scs_overlays_trampoline_lowered:
0x8: {  	[smem:$0x3FA4] =	sst s0  }
0x9: {  	[smem:$0x3FA5] =	sst s1  }
0xa: {  	[smem:$0x3FA6] =	sst s2  }
0xb: {  	[smem:$0x3FA7] =	sst s3  }
0xc: {  	[smem:$0x3FA8] =	sst s4  }
0xd: {  	[smem:$0x3FA9] =	sst s5  }
0xe: {  	[smem:$0x3FAA] =	sst s6  }
0xf: {  	[smem:$0x3FAB] =	sst s7  }
0x10: {  	[smem:$0x3FAC] =	sst s8  }
0x11: {  	[smem:$0x3FAD] =	sst s9;
	s0 =	simm.s32 @!p0 $0x0  }
0x12: {  	s1 =	sld [smem:$0x3F93];
	s0 =	simm.s32 @p0 $0x1  }
0x13: {  	[smem:$0x3FAE] =	sst s0;
	s0 =	simm.s32 @!p1 $0x0  }
0x14: {  	s2 =	sld [smem:$0x3F92];
	s0 =	simm.s32 @p1 $0x1  }
0x15: {  	[smem:$0x3FAF] =	sst s0;
	s0 =	simm.s32 @!p2 $0x0  }
0x16: {  	s3 =	sld [smem:$0x3FDB];
	s0 =	simm.s32 @p2 $0x1  }
0x17: {  	s4 =	simm.s32 $0x1BF5;
	[smem:$0x3FB1] =	sst s0  }
0x18: {  	s0 =	sld [smem:$0x3F94];
	_ =	swait.ge [sflag:s4], $0x0  }
0x19: {  	s7 =	sld [smem:$0x3F95]  }
0x1a: {  	s8 =	sadd.s32 $0xFFFFE003, lr  }
0x1b: {  	s9 =	sadd.s32 $0xFFFFFEF7, lr;
	s5 =	simm.s32 $0xFFFFFFFF;
	p2 =	slt.u32 s8, $0xFFFFF086  }
0x1c: {  	p1 =	slt.u32 s9, $0xF7A;
	s5 =	simm.s32 @!p2 $0x0  }
0x1d: {  	s5 =	simm.s32 @p1 $0x1;
	p0 =	seq.s32 s7, s2  }
0x1e: {  	s7 =	smul.u32 @!p0 $0xF7A, s2;
	p2 =	seq.s32 @!p0 s5, $0x0  }
0x1f: {  	s9 =	smul.u32 $0xF7A, s1;
	s8 =	simm.s32 @!p0 $0x1BF5;
	p2 =	por !p2, p0  }
0x20: {  	[sflag:s8] =	ssyncset.s32 @!p0 $0xFFFFF086;
	s6 =	sadd.s32 @!p0 s3, s7;
	s7 =	simm.s32 @!p0 $0x108  }
0x21: {  	s3 =	sadd.s32 s3, s9;
	s6 =	sadd.s32 @!p0 $0x88, s6;
	s7 =	simm.s32 @p2 $0x1082  }
0x22: {  	[simem:s7], [sflag:s8] =	dma.local @!p0 [hbm:s6], $0xF7A  }
0x23: {  	s9 =	sor.u32 $0xD0000000, s2;
	s6 =	simm.s32 $0x108;
	_ =	swait.ge @!p0 [sflag:s8], $0x0  }
0x24: {  	s3 =	sadd.s32 $0x88, s3;
	s6 =	simm.s32 @!p1 $0x1082;
	[sflag:s4] =	ssyncset.s32 $0xFFFFF086  }
0x25: {  	[simem:s6], [sflag:s4] =	dma.local [hbm:s3], $0xF7A  }
0x26: {  	[smem:$0x3F95] =	sst s1;
	(tag) =	ssettag s2;
	_ =	strace s9  }
0x27: {  	s1 =	sld [smem:$0x3FA5]  }
0x28: {  	s2 =	sld [smem:$0x3FA6]  }
0x29: {  	s4 =	sld [smem:$0x3FA8]  }
0x2a: {  	p0 =	seq.s32 s5, $0x0;
	s5 =	sld [smem:$0x3FA9]  }
0x2b: {  	s6 =	sld [smem:$0x3FAA]  }
0x2c: {  	s7 =	sld [smem:$0x3FAB]  }
0x2d: {  	s3 =	simm.s32 $0x108;
	s8 =	sld [smem:$0x3FAC]  }
0x2e: {  	s3 =	simm.s32 @!p0 $0x1082;
	s9 =	sld [smem:$0x3FAD]  }
0x2f: {  	lr =	sadd.s32 s0, s3;
	s0 =	sld [smem:$0x3FA4]  }
0x30: {  	s3 =	sld [smem:$0x3FA7]  }
0x31: {  	[smem:$0x3FB0] =	sst s10  }
0x32: {  	s10 =	sld [smem:$0x3FAE];
	_ =	sdelay $0x3  }
0x33: {  	p0 =	seq.s32 s10, $0x1;
	s10 =	sld [smem:$0x3FB0];
	_ =	sdelay $0x3  }
0x34: {  	[smem:$0x3FB0] =	sst s10  }
0x35: {  	s10 =	sld [smem:$0x3FAF];
	_ =	sdelay $0x3  }
0x36: {  	p1 =	seq.s32 s10, $0x1;
	s10 =	sld [smem:$0x3FB0];
	_ =	sdelay $0x3  }
0x37: {  	[smem:$0x3FB0] =	sst s10  }
0x38: {  	s10 =	sld [smem:$0x3FB1]  }
0x39: {  	_ = 	snop;
	(pc) =	sbr.ind lr, $3  }
0x3a: {  	_ = 	snop  }
0x3b: {  	_ = 	snop  }
0x3c: {  	p2 =	seq.s32 s10, $0x1;
	s10 =	sld [smem:$0x3FB0]  }
0x3d: {  	_ =	shalt  }
0x3e: {  	_ =	shalt  }
0x3f: {  	_ =	shalt  }
0x40: {  	_ =	shalt  }
0x41: {  	_ =	shalt  }
0x42: {  	_ =	shalt  }
0x43: {  	_ =	shalt  }
0x44: {  	_ =	shalt  }
0x45: {  	_ =	shalt  }
0x46: {  	_ =	shalt  }
0x47: {  	_ =	shalt  }
0x48: {  	_ =	shalt  }
0x49: {  	_ =	shalt  }
0x4a: {  	_ =	shalt  }
0x4b: {  	_ =	shalt  }
0x4c: {  	_ =	shalt  }
0x4d: {  	_ =	shalt  }
0x4e: {  	_ =	shalt  }
0x4f: {  	_ =	shalt  }
0x50: {  	_ =	shalt  }
0x51: {  	_ =	shalt  }
0x52: {  	_ =	shalt  }
0x53: {  	_ =	shalt  }
0x54: {  	_ =	shalt  }
0x55: {  	_ =	shalt  }
0x56: {  	_ =	shalt  }
0x57: {  	_ =	shalt  }
0x58: {  	_ =	shalt  }
0x59: {  	_ =	shalt  }
0x5a: {  	_ =	shalt  }
0x5b: {  	_ =	shalt  }
0x5c: {  	_ =	shalt  }
0x5d: {  	_ =	shalt  }
0x5e: {  	_ =	shalt  }
0x5f: {  	_ =	shalt  }
0x60: {  	_ =	shalt  }
0x61: {  	_ =	shalt  }
0x62: {  	_ =	shalt  }
0x63: {  	_ =	shalt  }
0x64: {  	_ =	shalt  }
0x65: {  	_ =	shalt  }
0x66: {  	_ =	shalt  }
0x67: {  	_ =	shalt  }
0x68: {  	_ =	shalt  }
0x69: {  	_ =	shalt  }
0x6a: {  	_ =	shalt  }
0x6b: {  	_ =	shalt  }
0x6c: {  	_ =	shalt  }
0x6d: {  	_ =	shalt  }
0x6e: {  	_ =	shalt  }
0x6f: {  	_ =	shalt  }
0x70: {  	_ =	shalt  }
0x71: {  	_ =	shalt  }
0x72: {  	_ =	shalt  }
0x73: {  	_ =	shalt  }
0x74: {  	_ =	shalt  }
0x75: {  	_ =	shalt  }
0x76: {  	_ =	shalt  }
0x77: {  	_ =	shalt  }
0x78: {  	_ =	shalt  }
0x79: {  	_ =	shalt  }
0x7a: {  	_ =	shalt  }
0x7b: {  	_ =	shalt  }
0x7c: {  	_ =	shalt  }
0x7d: {  	_ =	shalt  }
0x7e: {  	_ =	shalt  }
0x7f: {  	_ =	shalt  }
0x80: {  	_ =	shalt  }
0x81: {  	_ =	shalt  }
0x82: {  	_ =	shalt  }
0x83: {  	_ =	shalt  }
0x84: {  	_ =	shalt  }
0x85: {  	_ =	shalt  }
0x86: {  	_ =	shalt  }
0x87: {  	_ =	shalt  }
.Lfunc_end0:
.L_simem_size_0:
called_computation_lowered:
.L_overlay_start_0:
0x88: {  	s2 =	sld [smem:$0x3FD9]  }
0x89: {  	s3 =	sld [smem:$0x3FFE];
	_ =	sdelay $0x1  }
0x8a: {  	s1 =	srdreg.scid  }
0x8b: {  	s0 =	sand.u32 $0x1, s1  }
0x8c: {  	s15 =	sshll.u32 s0, $0xA;
	s2 =	sadd.s32 s3, s2  }
0x8d: {  	s2 =	sadd.s32 s2, s15  }
0x8e: {  	[smem:$0x3FBC] =	sst s2  }
0x8f: {  	_ = 	snop  }
0x90: {  	s2 =	sld [smem:$0x3FD0];
	_ =	sdelay $0x1  }
0x91: {  	s16 =	sld [smem:$0x3FBF]  }
0x92: {  	s5 =	simm.s32 $0xA;
	s6 =	simm.s32 $0x10;
	s4 =	sld [smem:$0x3FBE]  }
0x93: {  	[smem:s6], [sflag:s5] =	dma.local [hbm:s2], $0x1  }
0x94: {  	_ =	swait.eq [sflag:s5], $0x1  }
0x95: {  	s17 =	sld [smem:$0x10]  }
0x96: {  	s18 =	sld [smem:$0x11];
	[sflag:s5] =	ssyncset.done $0x0  }
0x97: {  	s7 =	sld [smem:$0x14];
	[sflag:s5] =	ssyncadd.s32 $0xFFFFFFFF  }
0x98: {  	s19 =	sld [smem:$0x15];
	(tm) =	ssettm $0x1  }
0x99: {  	s8 =	sld [smem:$0x3FFB];
	_ =	sdelay $0x3  }
0x9a: {  	_ =	strace s8  }
0x9b: {  	s8 =	sld [smem:$0x3FFC];
	_ =	sdelay $0x3  }
0x9c: {  	_ =	strace s8  }
0x9d: {  	s8 =	sld [smem:$0x3FFD];
	_ =	sdelay $0x3  }
0x9e: {  	_ =	strace s8  }
0x9f: {  	_ =	strace $0x8FFFFFFF  }
0xa0: {  	s20 =	sld [smem:$0x3FDB];
	_ =	sdelay $0x1  }
0xa1: {  	s9 =	simm.s32 $_scs_section_size  }
0xa2: {  	s10 =	simm.s32 $_size__tile_overlayer_lowered;
	s11 =	simm.s32 $_tile_overlayer_lowered  }
0xa3: {  	s23 =	simm.s32 $0x1BFF;
	s22 =	sshll.u32 s11, $0x1;
	s8 =	sadd.s32 s9, s20  }
0xa4: {  	s12 =	simm.s32 $0x0;
	s21 =	sshll.u32 s10, $0x1;
	s10 =	sadd.s32 s22, s8  }
0xa5: {  	[timem:s12], [sflag:s23] =	dma.local [hbm:s10], s21  }
0xa6: {  	_ =	swait.ge [sflag:s23], s21  }
0xa7: {  	s9 =	ssub.s32 $0x0, s21;
	[sflag:s23] =	ssyncset.done $0x0  }
0xa8: {  	[sflag:s23] =	ssyncadd.s32 s9;
	_ =	sdelay $0x1  }
0xa9: {  	s24 =	simm.s32 $0x1B8B  }
0xaa: {  	_ =	swait.ge [sflag:s24], $0x1  }
0xab: {  	[sflag:s24] =	ssyncset.done $0x0  }
0xac: {  	s25 =	simm.s32 $0x1B8E;
	[sflag:s24] =	ssyncadd.s32 $0xFFFFFFFF  }
0xad: {  	s26 =	simm.s32 $execute0_lowered;
	[smem:$0x3FD2] =	sst s25  }
0xae: {  	s9 =	sshll.u32 s26, $0x1;
	_ =	strace $0x80000046;
	[dreg:$0x1] =	wrdreg $0xFFFFFFFF  }
0xaf: {  	s28 =	simm.s32 $_size_execute0_lowered;
	s8 =	sadd.s32 s8, s9;
	[dreg:$0x0] =	wrdreg $0x0  }
0xb0: {  	s9 =	sshll.u32 s28, $0x1;
	[dreg:$0x2] =	wrdreg s8  }
0xb1: {  	[dreg:$0x3] =	wrdreg s9  }
0xb2: {  	[dreg:$0x4] =	wrdreg $0xC0  }
0xb3: {  	_ =	task [dreg:s12], $0x5FFFF  }
0xb4: {  	[dreg:$0x1] =	wrdreg $0xFFFFFFFF  }
0xb5: {  	[dreg:$0x0] =	wrdreg $0x60  }
0xb6: {  	[dreg:$0x2] =	wrdreg s16  }
0xb7: {  	[dreg:$0x3] =	wrdreg s7  }
0xb8: {  	[dreg:$0x4] =	wrdreg s4  }
0xb9: {  	[dreg:$0x5] =	wrdreg s17  }
0xba: {  	[dreg:$0x6] =	wrdreg s18  }
0xbb: {  	[dreg:$0x7] =	wrdreg s19  }
0xbc: {  	[dreg:$0x8] =	wrdreg $0x9  }
0xbd: {  	_ =	task.clear_ibuf [dreg:s12], $0x9FFFF;
	_ =	strace $0x90000046  }
0xbe: {  	s29 =	simm.s32 $0x9;
	_ =	strace $0x80000048  }
0xbf: {  	_ =	swait.ge [sflag:s29], $0x1  }
0xc0: {  	[sflag:s29] =	ssyncadd.s32 $0xFFFFFFFF  }
0xc1: {  	_ =	strace $0x90000048  }
0xc2: {  	_ =	sfence  }
0xc3: {  	s30 =	sld [smem:$0x0];
	_ =	sdelay $0x2  }
0xc4: {  	s31 =	sshll.u32 s1, $0xD;
	s1 =	sshrl.u32 s1, $0x2  }
0xc5: {  	s3 =	sand.u32 $0x4000, s31;
	s1 =	sadd.s32 s1, s30  }
0xc6: {  	s0 =	sor.u32 s3, s0;
	s1 =	sshll.u32 s1, $0x11  }
0xc7: {  	s0 =	sor.u32 s1, s0  }
0xc8: {  	s0 =	sadd.s32 $0x8F2B, s0  }
0xc9: {  	[sflag:s0] =	ssyncadd.remote.s32 $0x1  }
0xca: {  	_ =	sfence.sel $0xFFFF  }
0xcb: {  	[dreg:$0x0] =	wrdreg $0xFFFFFFFF;
	(pc) =	sbr.abs _section_cstart, $3  }
0xcc: {  	[dreg:$0x1] =	wrdreg $0xFFFFFFFF  }
0xcd: {  	_ =	task.clear_ibuf [dreg:s12], $0x2FFFF;
	_ =	strace $0x9FFFFFFF  }
0xce: {  	(tm) =	ssettm $0x7FFFFFFF  }
0xcf: {  	_ =	shalt  }
tec
execute0_lowered:
.L_overlay_start_1:
0x0: {  	(tag) =	ssettag $0x1  }
0x1: {  	s0 =	rddreg [dreg:$0x0]  }
0x2: {  	s6 =	rddreg [dreg:$0x1]  }
0x3: {  	s2 =	rddreg [dreg:$0x2]  }
0x4: {  	s10 =	rddreg [dreg:$0x3]  }
0x5: {  	s7 =	rddreg [dreg:$0x4]  }
0x6: {  	s11 =	rddreg [dreg:$0x5]  }
0x7: {  	s4 =	srdreg.scid;
	s3 =	stileid.u32;
	s17 =	simm.s32 $0x1880  }
0x8: {  	s18 =	simm.s32 $0x2080;
	s19 =	simm.s32 $0x2880;
	s20 =	simm.s32 $0x3080  }
0x9: {  	s21 =	simm.s32 $0x3880;
	s22 =	simm.s32 $0x4080;
	s23 =	simm.s32 $0x4880  }
0xa: {  	s28 =	simm.s32 $0x6880;
	s29 =	simm.s32 $0x7080;
	s30 =	simm.s32 $0x7880  }
0xb: {  	s31 =	simm.s32 $0x1;
	s5 =	sand.u32 $0x1, s4;
	s4 =	simm.s32 $0x0  }
0xc: {  	s8 =	sshll.u32 s3, $0x9;
	s9 =	sshll.u32 s5, $0x8;
	s5 =	ssub.s32 $0x2, s5  }
0xd: {  	[smem:$0x7FF] =	sst s4;
	s8 =	sor.u32 s9, s8;
	s24 =	sshrl.u32 s5, $0x1  }
0xe: {  	_ =	strace $0x80000047;
	s12 =	sshrl.u32 s8, $0x3;
	s13 =	ssub.s32 s5, s24  }
0xf: {  	s26 =	sor.u32 $0x80, s8;
	s14 =	sshll.u32 s8, $0x5;
	s24 =	simm.s32 $0x5080  }
0x10: {  	s25 =	sadd.s32 s6, s12;
	s15 =	sshrl.u32 s26, $0x3;
	s5 =	sadd.s32 s7, s14  }
0x11: {  	s16 =	sshll.u32 s26, $0x5;
	s8 =	sadd.s32 s10, s12;
	s9 =	sadd.s32 s11, s14  }
0x12: {  	s12 =	smax.u32 s13, $0x1;
	s13 =	simm.s32 $0x2;
	s14 =	simm.s32 $0x80  }
0x13: {  	v2 =	vlaneseq.u32;
	s26 =	simm.s32 $0x6080;
	[dreg:$0x7] =	wrdreg s25;
	s6 =	sadd.s32 s6, s15  }
0x14: {  	vm0 =	vmmov $0xffff;
	v1 =	vshrl.u32 v2, $0x3;
	s7 =	sadd.s32 s7, s16;
	s10 =	sadd.s32 s10, s15;
	s11 =	sadd.s32 s11, s16  }
0x15: {  	v0 =	vand.u32 $0x7, v2;
	v2 =	vor.u32 $0x8, v2;
	v1 =	vmul.u32 $0x8, v1;
	s15 =	simm.s32 $0x880;
	s16 =	simm.s32 $0x1080;
	s25 =	simm.s32 $0x5880  }
.LBB2_1:
0x16: {  	s1 =	rddreg [dreg:$0x7]  }
0x17: {  	[tilespmem:s4], [sflag:$0x2] =	stream.linear.gather [hbm4b:s1+s4], $0x80, $0x38;
	[tilespmem:$0x8080] =	vst v63  }
0x18: {  	_ =	swait.ge [sflag:s13], $0x80  }
0x19: {  	[sflag:s13] =	ssyncset.done $0x0  }
0x1a: {  	[sflag:s13] =	ssyncadd.s32 $0xFFFFFF80  }
0x1b: {  	v3 =	vld [tilespmem:$0x0];
	_ =	sdelay $0x4  }
0x1c: {  	v4 =	vshll.u32 v3, $0x1  }
0x1d: {  	v3 =	vand.u32 $0x7, v3;
	v4 =	vand.u32 $0xFFFFFFF0, v4  }
0x1e: {  	v3 =	vor.u32 v3, v4  }
0x1f: {  	v4 =	vperm.xlane v3, v0;
	_ =	sdelay $0x1  }
0x20: {  	v3 =	vperm.xlane v3, v2;
	v4 =	vadd.s32 v1, v4;
	_ =	sdelay $0x1  }
0x21: {  	v3 =	vadd.s32 v1, v3;
	_ =	sdelay $0x2  }
0x22: {  	[tilespmem:s14], [sflag:$0x1] =	stream.indirect_vreg.gather [hbm4b:s0+s4], $0x80, v4, vm0, $0xb8;
	[tilespmem:$0x8080] =	vst v63  }
0x23: {  	_ = 	snop  }
0x24: {  	[tilespmem:s15], [sflag:$0x1] =	stream.indirect_vreg.gather [hbm4b:s0+s4], $0x80, v3, vm0, $0xb8;
	[tilespmem:$0x8080] =	vst v63  }
0x25: {  	v3 =	vld [tilespmem:$0x10];
	_ =	sdelay $0x4  }
0x26: {  	v33 =	vshll.u32 v3, $0x1  }
0x27: {  	v3 =	vand.u32 $0x7, v3;
	v4 =	vand.u32 $0xFFFFFFF0, v33  }
0x28: {  	v3 =	vor.u32 v3, v4  }
0x29: {  	v4 =	vperm.xlane v3, v0;
	_ =	sdelay $0x1  }
0x2a: {  	v3 =	vperm.xlane v3, v2;
	v4 =	vadd.s32 v1, v4;
	_ =	sdelay $0x1  }
0x2b: {  	v3 =	vadd.s32 v1, v3;
	_ =	sdelay $0x2  }
0x2c: {  	[tilespmem:s16], [sflag:$0x1] =	stream.indirect_vreg.gather [hbm4b:s0+s4], $0x80, v4, vm0, $0xb8;
	[tilespmem:$0x8080] =	vst v63  }
0x2d: {  	_ = 	snop  }
0x2e: {  	[tilespmem:s17], [sflag:$0x1] =	stream.indirect_vreg.gather [hbm4b:s0+s4], $0x80, v3, vm0, $0xb8;
	[tilespmem:$0x8080] =	vst v63  }
0x2f: {  	v3 =	vld [tilespmem:$0x20];
	_ =	sdelay $0x4  }
0x30: {  	v34 =	vshll.u32 v3, $0x1  }
0x31: {  	v3 =	vand.u32 $0x7, v3;
	v4 =	vand.u32 $0xFFFFFFF0, v34  }
0x32: {  	v3 =	vor.u32 v3, v4  }
0x33: {  	v4 =	vperm.xlane v3, v0;
	_ =	sdelay $0x1  }
0x34: {  	v3 =	vperm.xlane v3, v2;
	v4 =	vadd.s32 v1, v4;
	_ =	sdelay $0x1  }
0x35: {  	v3 =	vadd.s32 v1, v3;
	_ =	sdelay $0x2  }
0x36: {  	[tilespmem:s18], [sflag:$0x1] =	stream.indirect_vreg.gather [hbm4b:s0+s4], $0x80, v4, vm0, $0xb8;
	[tilespmem:$0x8080] =	vst v63  }
0x37: {  	_ = 	snop  }
0x38: {  	[tilespmem:s19], [sflag:$0x1] =	stream.indirect_vreg.gather [hbm4b:s0+s4], $0x80, v3, vm0, $0xb8;
	[tilespmem:$0x8080] =	vst v63  }
0x39: {  	v3 =	vld [tilespmem:$0x30];
	_ =	sdelay $0x4  }
0x3a: {  	v35 =	vshll.u32 v3, $0x1  }
0x3b: {  	v3 =	vand.u32 $0x7, v3;
	v4 =	vand.u32 $0xFFFFFFF0, v35  }
0x3c: {  	v3 =	vor.u32 v3, v4  }
0x3d: {  	v4 =	vperm.xlane v3, v0;
	_ =	sdelay $0x1  }
0x3e: {  	v3 =	vperm.xlane v3, v2;
	v4 =	vadd.s32 v1, v4;
	_ =	sdelay $0x1  }
0x3f: {  	v3 =	vadd.s32 v1, v3;
	_ =	sdelay $0x2  }
0x40: {  	[tilespmem:s20], [sflag:$0x1] =	stream.indirect_vreg.gather [hbm4b:s0+s4], $0x80, v4, vm0, $0xb8;
	[tilespmem:$0x8080] =	vst v63  }
0x41: {  	_ = 	snop  }
0x42: {  	[tilespmem:s21], [sflag:$0x1] =	stream.indirect_vreg.gather [hbm4b:s0+s4], $0x80, v3, vm0, $0xb8;
	[tilespmem:$0x8080] =	vst v63  }
0x43: {  	v3 =	vld [tilespmem:$0x40];
	_ =	sdelay $0x4  }
0x44: {  	v36 =	vshll.u32 v3, $0x1  }
0x45: {  	v3 =	vand.u32 $0x7, v3;
	v4 =	vand.u32 $0xFFFFFFF0, v36  }
0x46: {  	v3 =	vor.u32 v3, v4  }
0x47: {  	v4 =	vperm.xlane v3, v0;
	_ =	sdelay $0x1  }
0x48: {  	v3 =	vperm.xlane v3, v2;
	v4 =	vadd.s32 v1, v4;
	_ =	sdelay $0x1  }
0x49: {  	v3 =	vadd.s32 v1, v3;
	_ =	sdelay $0x2  }
0x4a: {  	[tilespmem:s22], [sflag:$0x1] =	stream.indirect_vreg.gather [hbm4b:s0+s4], $0x80, v4, vm0, $0xb8;
	[tilespmem:$0x8080] =	vst v63  }
0x4b: {  	_ = 	snop  }
0x4c: {  	[tilespmem:s23], [sflag:$0x1] =	stream.indirect_vreg.gather [hbm4b:s0+s4], $0x80, v3, vm0, $0xb8;
	[tilespmem:$0x8080] =	vst v63  }
0x4d: {  	v3 =	vld [tilespmem:$0x50];
	_ =	sdelay $0x4  }
0x4e: {  	v37 =	vshll.u32 v3, $0x1  }
0x4f: {  	v3 =	vand.u32 $0x7, v3;
	v4 =	vand.u32 $0xFFFFFFF0, v37  }
0x50: {  	v3 =	vor.u32 v3, v4  }
0x51: {  	v4 =	vperm.xlane v3, v0;
	_ =	sdelay $0x1  }
0x52: {  	v3 =	vperm.xlane v3, v2;
	v4 =	vadd.s32 v1, v4;
	_ =	sdelay $0x1  }
0x53: {  	v3 =	vadd.s32 v1, v3;
	_ =	sdelay $0x2  }
0x54: {  	[tilespmem:s24], [sflag:$0x1] =	stream.indirect_vreg.gather [hbm4b:s0+s4], $0x80, v4, vm0, $0xb8;
	[tilespmem:$0x8080] =	vst v63  }
0x55: {  	_ = 	snop  }
0x56: {  	[tilespmem:s25], [sflag:$0x1] =	stream.indirect_vreg.gather [hbm4b:s0+s4], $0x80, v3, vm0, $0xb8;
	[tilespmem:$0x8080] =	vst v63  }
0x57: {  	v3 =	vld [tilespmem:$0x60];
	_ =	sdelay $0x4  }
0x58: {  	v38 =	vshll.u32 v3, $0x1  }
0x59: {  	v3 =	vand.u32 $0x7, v3;
	v4 =	vand.u32 $0xFFFFFFF0, v38  }
0x5a: {  	v3 =	vor.u32 v3, v4  }
0x5b: {  	v4 =	vperm.xlane v3, v0;
	_ =	sdelay $0x1  }
0x5c: {  	v3 =	vperm.xlane v3, v2;
	v4 =	vadd.s32 v1, v4;
	_ =	sdelay $0x1  }
0x5d: {  	v3 =	vadd.s32 v1, v3;
	_ =	sdelay $0x2  }
0x5e: {  	[tilespmem:s26], [sflag:$0x1] =	stream.indirect_vreg.gather [hbm4b:s0+s4], $0x80, v4, vm0, $0xb8;
	[tilespmem:$0x8080] =	vst v63  }
0x5f: {  	_ = 	snop  }
0x60: {  	[tilespmem:s28], [sflag:$0x1] =	stream.indirect_vreg.gather [hbm4b:s0+s4], $0x80, v3, vm0, $0xb8;
	[tilespmem:$0x8080] =	vst v63  }
0x61: {  	v3 =	vld [tilespmem:$0x70];
	_ =	sdelay $0x4  }
0x62: {  	v39 =	vshll.u32 v3, $0x1  }
0x63: {  	v3 =	vand.u32 $0x7, v3;
	v4 =	vand.u32 $0xFFFFFFF0, v39  }
0x64: {  	v3 =	vor.u32 v3, v4  }
0x65: {  	v4 =	vperm.xlane v3, v0;
	_ =	sdelay $0x1  }
0x66: {  	v3 =	vperm.xlane v3, v2;
	v4 =	vadd.s32 v1, v4;
	_ =	sdelay $0x1  }
0x67: {  	v3 =	vadd.s32 v1, v3;
	_ =	sdelay $0x2  }
0x68: {  	[tilespmem:s29], [sflag:$0x1] =	stream.indirect_vreg.gather [hbm4b:s0+s4], $0x80, v4, vm0, $0xb8;
	[tilespmem:$0x8080] =	vst v63  }
0x69: {  	_ = 	snop  }
0x6a: {  	[tilespmem:s30], [sflag:$0x1] =	stream.indirect_vreg.gather [hbm4b:s0+s4], $0x80, v3, vm0, $0xb8;
	[tilespmem:$0x8080] =	vst v63  }
0x6b: {  	_ =	swait.ge [sflag:s31], $0x8000  }
0x6c: {  	[sflag:s31] =	ssyncset.done $0x0  }
0x6d: {  	[sflag:s31] =	ssyncadd.s32 $0xFFFF8000  }
0x6e: {  	[hbm4b:s5+s4] =	stream.linear.scatter [tilespmem:s14], [sflag:$0x2], $0x8000, $0x38;
	[tilespmem:$0x8080] =	vst v63  }
0x6f: {  	_ =	swait.ge [sflag:s13], $0x8000  }
0x70: {  	[sflag:s13] =	ssyncset.done $0x0  }
0x71: {  	[sflag:s13] =	ssyncadd.s32 $0xFFFF8000  }
0x72: {  	[tilespmem:s4], [sflag:$0x2] =	stream.linear.gather [hbm4b:s6+s4], $0x80, $0x38;
	[tilespmem:$0x8080] =	vst v63  }
0x73: {  	_ =	swait.ge [sflag:s13], $0x80  }
0x74: {  	[sflag:s13] =	ssyncset.done $0x0  }
0x75: {  	[sflag:s13] =	ssyncadd.s32 $0xFFFFFF80  }
0x76: {  	v3 =	vld [tilespmem:$0x0];
	_ =	sdelay $0x4  }
0x77: {  	v40 =	vshll.u32 v3, $0x1  }
0x78: {  	v3 =	vand.u32 $0x7, v3;
	v4 =	vand.u32 $0xFFFFFFF0, v40  }
0x79: {  	v3 =	vor.u32 v3, v4  }
0x7a: {  	v4 =	vperm.xlane v3, v0;
	_ =	sdelay $0x1  }
0x7b: {  	v3 =	vperm.xlane v3, v2;
	v4 =	vadd.s32 v1, v4;
	_ =	sdelay $0x1  }
0x7c: {  	v3 =	vadd.s32 v1, v3;
	_ =	sdelay $0x2  }
0x7d: {  	[tilespmem:s14], [sflag:$0x1] =	stream.indirect_vreg.gather [hbm4b:s0+s4], $0x80, v4, vm0, $0xb8;
	[tilespmem:$0x8080] =	vst v63  }
0x7e: {  	_ = 	snop  }
0x7f: {  	[tilespmem:s15], [sflag:$0x1] =	stream.indirect_vreg.gather [hbm4b:s0+s4], $0x80, v3, vm0, $0xb8;
	[tilespmem:$0x8080] =	vst v63  }
0x80: {  	v3 =	vld [tilespmem:$0x10];
	_ =	sdelay $0x4  }
0x81: {  	v41 =	vshll.u32 v3, $0x1  }
0x82: {  	v3 =	vand.u32 $0x7, v3;
	v4 =	vand.u32 $0xFFFFFFF0, v41  }
0x83: {  	v3 =	vor.u32 v3, v4  }
0x84: {  	v4 =	vperm.xlane v3, v0;
	_ =	sdelay $0x1  }
0x85: {  	v3 =	vperm.xlane v3, v2;
	v4 =	vadd.s32 v1, v4;
	_ =	sdelay $0x1  }
0x86: {  	v3 =	vadd.s32 v1, v3;
	_ =	sdelay $0x2  }
0x87: {  	[tilespmem:s16], [sflag:$0x1] =	stream.indirect_vreg.gather [hbm4b:s0+s4], $0x80, v4, vm0, $0xb8;
	[tilespmem:$0x8080] =	vst v63  }
0x88: {  	_ = 	snop  }
0x89: {  	[tilespmem:s17], [sflag:$0x1] =	stream.indirect_vreg.gather [hbm4b:s0+s4], $0x80, v3, vm0, $0xb8;
	[tilespmem:$0x8080] =	vst v63  }
0x8a: {  	v3 =	vld [tilespmem:$0x20];
	_ =	sdelay $0x4  }
0x8b: {  	v42 =	vshll.u32 v3, $0x1  }
0x8c: {  	v3 =	vand.u32 $0x7, v3;
	v4 =	vand.u32 $0xFFFFFFF0, v42  }
0x8d: {  	v3 =	vor.u32 v3, v4  }
0x8e: {  	v4 =	vperm.xlane v3, v0;
	_ =	sdelay $0x1  }
0x8f: {  	v3 =	vperm.xlane v3, v2;
	v4 =	vadd.s32 v1, v4;
	_ =	sdelay $0x1  }
0x90: {  	v3 =	vadd.s32 v1, v3;
	_ =	sdelay $0x2  }
0x91: {  	[tilespmem:s18], [sflag:$0x1] =	stream.indirect_vreg.gather [hbm4b:s0+s4], $0x80, v4, vm0, $0xb8;
	[tilespmem:$0x8080] =	vst v63  }
0x92: {  	_ = 	snop  }
0x93: {  	[tilespmem:s19], [sflag:$0x1] =	stream.indirect_vreg.gather [hbm4b:s0+s4], $0x80, v3, vm0, $0xb8;
	[tilespmem:$0x8080] =	vst v63  }
0x94: {  	v3 =	vld [tilespmem:$0x30];
	_ =	sdelay $0x4  }
0x95: {  	v43 =	vshll.u32 v3, $0x1  }
0x96: {  	v3 =	vand.u32 $0x7, v3;
	v4 =	vand.u32 $0xFFFFFFF0, v43  }
0x97: {  	v3 =	vor.u32 v3, v4  }
0x98: {  	v4 =	vperm.xlane v3, v0;
	_ =	sdelay $0x1  }
0x99: {  	v3 =	vperm.xlane v3, v2;
	v4 =	vadd.s32 v1, v4;
	_ =	sdelay $0x1  }
0x9a: {  	v3 =	vadd.s32 v1, v3;
	_ =	sdelay $0x2  }
0x9b: {  	[tilespmem:s20], [sflag:$0x1] =	stream.indirect_vreg.gather [hbm4b:s0+s4], $0x80, v4, vm0, $0xb8;
	[tilespmem:$0x8080] =	vst v63  }
0x9c: {  	_ = 	snop  }
0x9d: {  	[tilespmem:s21], [sflag:$0x1] =	stream.indirect_vreg.gather [hbm4b:s0+s4], $0x80, v3, vm0, $0xb8;
	[tilespmem:$0x8080] =	vst v63  }
0x9e: {  	v3 =	vld [tilespmem:$0x40];
	_ =	sdelay $0x4  }
0x9f: {  	v44 =	vshll.u32 v3, $0x1  }
0xa0: {  	v3 =	vand.u32 $0x7, v3;
	v4 =	vand.u32 $0xFFFFFFF0, v44  }
0xa1: {  	v3 =	vor.u32 v3, v4  }
0xa2: {  	v4 =	vperm.xlane v3, v0;
	_ =	sdelay $0x1  }
0xa3: {  	v3 =	vperm.xlane v3, v2;
	v4 =	vadd.s32 v1, v4;
	_ =	sdelay $0x1  }
0xa4: {  	v3 =	vadd.s32 v1, v3;
	_ =	sdelay $0x2  }
0xa5: {  	[tilespmem:s22], [sflag:$0x1] =	stream.indirect_vreg.gather [hbm4b:s0+s4], $0x80, v4, vm0, $0xb8;
	[tilespmem:$0x8080] =	vst v63  }
0xa6: {  	_ = 	snop  }
0xa7: {  	[tilespmem:s23], [sflag:$0x1] =	stream.indirect_vreg.gather [hbm4b:s0+s4], $0x80, v3, vm0, $0xb8;
	[tilespmem:$0x8080] =	vst v63  }
0xa8: {  	v3 =	vld [tilespmem:$0x50];
	_ =	sdelay $0x4  }
0xa9: {  	v45 =	vshll.u32 v3, $0x1  }
0xaa: {  	v3 =	vand.u32 $0x7, v3;
	v4 =	vand.u32 $0xFFFFFFF0, v45  }
0xab: {  	v3 =	vor.u32 v3, v4  }
0xac: {  	v4 =	vperm.xlane v3, v0;
	_ =	sdelay $0x1  }
0xad: {  	v3 =	vperm.xlane v3, v2;
	v4 =	vadd.s32 v1, v4;
	_ =	sdelay $0x1  }
0xae: {  	v3 =	vadd.s32 v1, v3;
	_ =	sdelay $0x2  }
0xaf: {  	[tilespmem:s24], [sflag:$0x1] =	stream.indirect_vreg.gather [hbm4b:s0+s4], $0x80, v4, vm0, $0xb8;
	[tilespmem:$0x8080] =	vst v63  }
0xb0: {  	_ = 	snop  }
0xb1: {  	[tilespmem:s25], [sflag:$0x1] =	stream.indirect_vreg.gather [hbm4b:s0+s4], $0x80, v3, vm0, $0xb8;
	[tilespmem:$0x8080] =	vst v63  }
0xb2: {  	v3 =	vld [tilespmem:$0x60];
	_ =	sdelay $0x4  }
0xb3: {  	v46 =	vshll.u32 v3, $0x1  }
0xb4: {  	v3 =	vand.u32 $0x7, v3;
	v4 =	vand.u32 $0xFFFFFFF0, v46  }
0xb5: {  	v3 =	vor.u32 v3, v4  }
0xb6: {  	v4 =	vperm.xlane v3, v0;
	_ =	sdelay $0x1  }
0xb7: {  	v3 =	vperm.xlane v3, v2;
	v4 =	vadd.s32 v1, v4;
	_ =	sdelay $0x1  }
0xb8: {  	v3 =	vadd.s32 v1, v3;
	_ =	sdelay $0x2  }
0xb9: {  	[tilespmem:s26], [sflag:$0x1] =	stream.indirect_vreg.gather [hbm4b:s0+s4], $0x80, v4, vm0, $0xb8;
	[tilespmem:$0x8080] =	vst v63  }
0xba: {  	_ = 	snop  }
0xbb: {  	[tilespmem:s28], [sflag:$0x1] =	stream.indirect_vreg.gather [hbm4b:s0+s4], $0x80, v3, vm0, $0xb8;
	[tilespmem:$0x8080] =	vst v63  }
0xbc: {  	v3 =	vld [tilespmem:$0x70];
	_ =	sdelay $0x4  }
0xbd: {  	v47 =	vshll.u32 v3, $0x1  }
0xbe: {  	v3 =	vand.u32 $0x7, v3;
	v4 =	vand.u32 $0xFFFFFFF0, v47  }
0xbf: {  	v3 =	vor.u32 v3, v4  }
0xc0: {  	v4 =	vperm.xlane v3, v0;
	_ =	sdelay $0x1  }
0xc1: {  	v3 =	vperm.xlane v3, v2;
	v4 =	vadd.s32 v1, v4;
	_ =	sdelay $0x1  }
0xc2: {  	v3 =	vadd.s32 v1, v3;
	_ =	sdelay $0x2  }
0xc3: {  	[tilespmem:s29], [sflag:$0x1] =	stream.indirect_vreg.gather [hbm4b:s0+s4], $0x80, v4, vm0, $0xb8;
	[tilespmem:$0x8080] =	vst v63  }
0xc4: {  	_ = 	snop  }
0xc5: {  	[tilespmem:s30], [sflag:$0x1] =	stream.indirect_vreg.gather [hbm4b:s0+s4], $0x80, v3, vm0, $0xb8;
	[tilespmem:$0x8080] =	vst v63  }
0xc6: {  	_ =	swait.ge [sflag:s31], $0x8000  }
0xc7: {  	[sflag:s31] =	ssyncset.done $0x0  }
0xc8: {  	[sflag:s31] =	ssyncadd.s32 $0xFFFF8000  }
0xc9: {  	[hbm4b:s7+s4] =	stream.linear.scatter [tilespmem:s14], [sflag:$0x2], $0x8000, $0x38;
	[tilespmem:$0x8080] =	vst v63  }
0xca: {  	_ =	swait.ge [sflag:s13], $0x8000  }
0xcb: {  	[sflag:s13] =	ssyncset.done $0x0  }
0xcc: {  	[sflag:s13] =	ssyncadd.s32 $0xFFFF8000  }
0xcd: {  	[tilespmem:s4], [sflag:$0x2] =	stream.linear.gather [hbm4b:s8+s4], $0x80, $0x38;
	[tilespmem:$0x8080] =	vst v63  }
0xce: {  	_ =	swait.ge [sflag:s13], $0x80  }
0xcf: {  	[sflag:s13] =	ssyncset.done $0x0  }
0xd0: {  	[sflag:s13] =	ssyncadd.s32 $0xFFFFFF80  }
0xd1: {  	v3 =	vld [tilespmem:$0x0];
	_ =	sdelay $0x4  }
0xd2: {  	v48 =	vshll.u32 v3, $0x1  }
0xd3: {  	v3 =	vand.u32 $0x7, v3;
	v4 =	vand.u32 $0xFFFFFFF0, v48  }
0xd4: {  	v3 =	vor.u32 v3, v4  }
0xd5: {  	v4 =	vperm.xlane v3, v0;
	_ =	sdelay $0x1  }
0xd6: {  	v3 =	vperm.xlane v3, v2;
	v4 =	vadd.s32 v1, v4;
	_ =	sdelay $0x1  }
0xd7: {  	v3 =	vadd.s32 v1, v3;
	_ =	sdelay $0x2  }
0xd8: {  	[tilespmem:s14], [sflag:$0x1] =	stream.indirect_vreg.gather [hbm4b:s2+s4], $0x80, v4, vm0, $0xb8;
	[tilespmem:$0x8080] =	vst v63  }
0xd9: {  	_ = 	snop  }
0xda: {  	[tilespmem:s15], [sflag:$0x1] =	stream.indirect_vreg.gather [hbm4b:s2+s4], $0x80, v3, vm0, $0xb8;
	[tilespmem:$0x8080] =	vst v63  }
0xdb: {  	v3 =	vld [tilespmem:$0x10];
	_ =	sdelay $0x4  }
0xdc: {  	v49 =	vshll.u32 v3, $0x1  }
0xdd: {  	v3 =	vand.u32 $0x7, v3;
	v4 =	vand.u32 $0xFFFFFFF0, v49  }
0xde: {  	v3 =	vor.u32 v3, v4  }
0xdf: {  	v4 =	vperm.xlane v3, v0;
	_ =	sdelay $0x1  }
0xe0: {  	v3 =	vperm.xlane v3, v2;
	v4 =	vadd.s32 v1, v4;
	_ =	sdelay $0x1  }
0xe1: {  	v3 =	vadd.s32 v1, v3;
	_ =	sdelay $0x2  }
0xe2: {  	[tilespmem:s16], [sflag:$0x1] =	stream.indirect_vreg.gather [hbm4b:s2+s4], $0x80, v4, vm0, $0xb8;
	[tilespmem:$0x8080] =	vst v63  }
0xe3: {  	_ = 	snop  }
0xe4: {  	[tilespmem:s17], [sflag:$0x1] =	stream.indirect_vreg.gather [hbm4b:s2+s4], $0x80, v3, vm0, $0xb8;
	[tilespmem:$0x8080] =	vst v63  }
0xe5: {  	v3 =	vld [tilespmem:$0x20];
	_ =	sdelay $0x4  }
0xe6: {  	v50 =	vshll.u32 v3, $0x1  }
0xe7: {  	v3 =	vand.u32 $0x7, v3;
	v4 =	vand.u32 $0xFFFFFFF0, v50  }
0xe8: {  	v3 =	vor.u32 v3, v4  }
0xe9: {  	v4 =	vperm.xlane v3, v0;
	_ =	sdelay $0x1  }
0xea: {  	v3 =	vperm.xlane v3, v2;
	v4 =	vadd.s32 v1, v4;
	_ =	sdelay $0x1  }
0xeb: {  	v3 =	vadd.s32 v1, v3;
	_ =	sdelay $0x2  }
0xec: {  	[tilespmem:s18], [sflag:$0x1] =	stream.indirect_vreg.gather [hbm4b:s2+s4], $0x80, v4, vm0, $0xb8;
	[tilespmem:$0x8080] =	vst v63  }
0xed: {  	_ = 	snop  }
0xee: {  	[tilespmem:s19], [sflag:$0x1] =	stream.indirect_vreg.gather [hbm4b:s2+s4], $0x80, v3, vm0, $0xb8;
	[tilespmem:$0x8080] =	vst v63  }
0xef: {  	v3 =	vld [tilespmem:$0x30];
	_ =	sdelay $0x4  }
0xf0: {  	v51 =	vshll.u32 v3, $0x1  }
0xf1: {  	v3 =	vand.u32 $0x7, v3;
	v4 =	vand.u32 $0xFFFFFFF0, v51  }
0xf2: {  	v3 =	vor.u32 v3, v4  }
0xf3: {  	v4 =	vperm.xlane v3, v0;
	_ =	sdelay $0x1  }
0xf4: {  	v3 =	vperm.xlane v3, v2;
	v4 =	vadd.s32 v1, v4;
	_ =	sdelay $0x1  }
0xf5: {  	v3 =	vadd.s32 v1, v3;
	_ =	sdelay $0x2  }
0xf6: {  	[tilespmem:s20], [sflag:$0x1] =	stream.indirect_vreg.gather [hbm4b:s2+s4], $0x80, v4, vm0, $0xb8;
	[tilespmem:$0x8080] =	vst v63  }
0xf7: {  	_ = 	snop  }
0xf8: {  	[tilespmem:s21], [sflag:$0x1] =	stream.indirect_vreg.gather [hbm4b:s2+s4], $0x80, v3, vm0, $0xb8;
	[tilespmem:$0x8080] =	vst v63  }
0xf9: {  	v3 =	vld [tilespmem:$0x40];
	_ =	sdelay $0x4  }
0xfa: {  	v52 =	vshll.u32 v3, $0x1  }
0xfb: {  	v3 =	vand.u32 $0x7, v3;
	v4 =	vand.u32 $0xFFFFFFF0, v52  }
0xfc: {  	v3 =	vor.u32 v3, v4  }
0xfd: {  	v4 =	vperm.xlane v3, v0;
	_ =	sdelay $0x1  }
0xfe: {  	v3 =	vperm.xlane v3, v2;
	v4 =	vadd.s32 v1, v4;
	_ =	sdelay $0x1  }
0xff: {  	v3 =	vadd.s32 v1, v3;
	_ =	sdelay $0x2  }
0x100: {  	[tilespmem:s22], [sflag:$0x1] =	stream.indirect_vreg.gather [hbm4b:s2+s4], $0x80, v4, vm0, $0xb8;
	[tilespmem:$0x8080] =	vst v63  }
0x101: {  	_ = 	snop  }
0x102: {  	[tilespmem:s23], [sflag:$0x1] =	stream.indirect_vreg.gather [hbm4b:s2+s4], $0x80, v3, vm0, $0xb8;
	[tilespmem:$0x8080] =	vst v63  }
0x103: {  	v3 =	vld [tilespmem:$0x50];
	_ =	sdelay $0x4  }
0x104: {  	v53 =	vshll.u32 v3, $0x1  }
0x105: {  	v3 =	vand.u32 $0x7, v3;
	v4 =	vand.u32 $0xFFFFFFF0, v53  }
0x106: {  	v3 =	vor.u32 v3, v4  }
0x107: {  	v4 =	vperm.xlane v3, v0;
	_ =	sdelay $0x1  }
0x108: {  	v3 =	vperm.xlane v3, v2;
	v4 =	vadd.s32 v1, v4;
	_ =	sdelay $0x1  }
0x109: {  	v3 =	vadd.s32 v1, v3;
	_ =	sdelay $0x2  }
0x10a: {  	[tilespmem:s24], [sflag:$0x1] =	stream.indirect_vreg.gather [hbm4b:s2+s4], $0x80, v4, vm0, $0xb8;
	[tilespmem:$0x8080] =	vst v63  }
0x10b: {  	_ = 	snop  }
0x10c: {  	[tilespmem:s25], [sflag:$0x1] =	stream.indirect_vreg.gather [hbm4b:s2+s4], $0x80, v3, vm0, $0xb8;
	[tilespmem:$0x8080] =	vst v63  }
0x10d: {  	v3 =	vld [tilespmem:$0x60];
	_ =	sdelay $0x4  }
0x10e: {  	v54 =	vshll.u32 v3, $0x1  }
0x10f: {  	v3 =	vand.u32 $0x7, v3;
	v4 =	vand.u32 $0xFFFFFFF0, v54  }
0x110: {  	v3 =	vor.u32 v3, v4  }
0x111: {  	v4 =	vperm.xlane v3, v0;
	_ =	sdelay $0x1  }
0x112: {  	v3 =	vperm.xlane v3, v2;
	v4 =	vadd.s32 v1, v4;
	_ =	sdelay $0x1  }
0x113: {  	v3 =	vadd.s32 v1, v3;
	_ =	sdelay $0x2  }
0x114: {  	[tilespmem:s26], [sflag:$0x1] =	stream.indirect_vreg.gather [hbm4b:s2+s4], $0x80, v4, vm0, $0xb8;
	[tilespmem:$0x8080] =	vst v63  }
0x115: {  	_ = 	snop  }
0x116: {  	[tilespmem:s28], [sflag:$0x1] =	stream.indirect_vreg.gather [hbm4b:s2+s4], $0x80, v3, vm0, $0xb8;
	[tilespmem:$0x8080] =	vst v63  }
0x117: {  	v3 =	vld [tilespmem:$0x70];
	_ =	sdelay $0x4  }
0x118: {  	v55 =	vshll.u32 v3, $0x1  }
0x119: {  	v3 =	vand.u32 $0x7, v3;
	v4 =	vand.u32 $0xFFFFFFF0, v55  }
0x11a: {  	v3 =	vor.u32 v3, v4  }
0x11b: {  	v4 =	vperm.xlane v3, v0;
	_ =	sdelay $0x1  }
0x11c: {  	v3 =	vperm.xlane v3, v2;
	v4 =	vadd.s32 v1, v4;
	_ =	sdelay $0x1  }
0x11d: {  	v3 =	vadd.s32 v1, v3;
	_ =	sdelay $0x2  }
0x11e: {  	[tilespmem:s29], [sflag:$0x1] =	stream.indirect_vreg.gather [hbm4b:s2+s4], $0x80, v4, vm0, $0xb8;
	[tilespmem:$0x8080] =	vst v63  }
0x11f: {  	_ = 	snop  }
0x120: {  	[tilespmem:s30], [sflag:$0x1] =	stream.indirect_vreg.gather [hbm4b:s2+s4], $0x80, v3, vm0, $0xb8;
	[tilespmem:$0x8080] =	vst v63  }
0x121: {  	_ =	swait.ge [sflag:s31], $0x8000  }
0x122: {  	[sflag:s31] =	ssyncset.done $0x0  }
0x123: {  	[sflag:s31] =	ssyncadd.s32 $0xFFFF8000  }
0x124: {  	[hbm4b:s9+s4] =	stream.linear.scatter [tilespmem:s14], [sflag:$0x2], $0x8000, $0x38;
	[tilespmem:$0x8080] =	vst v63  }
0x125: {  	_ =	swait.ge [sflag:s13], $0x8000  }
0x126: {  	[sflag:s13] =	ssyncset.done $0x0  }
0x127: {  	[sflag:s13] =	ssyncadd.s32 $0xFFFF8000  }
0x128: {  	[tilespmem:s4], [sflag:$0x2] =	stream.linear.gather [hbm4b:s10+s4], $0x80, $0x38;
	[tilespmem:$0x8080] =	vst v63  }
0x129: {  	_ =	swait.ge [sflag:s13], $0x80  }
0x12a: {  	[sflag:s13] =	ssyncset.done $0x0  }
0x12b: {  	[sflag:s13] =	ssyncadd.s32 $0xFFFFFF80  }
0x12c: {  	v3 =	vld [tilespmem:$0x0];
	_ =	sdelay $0x4  }
0x12d: {  	v56 =	vshll.u32 v3, $0x1  }
0x12e: {  	v3 =	vand.u32 $0x7, v3;
	v4 =	vand.u32 $0xFFFFFFF0, v56  }
0x12f: {  	v3 =	vor.u32 v3, v4  }
0x130: {  	v4 =	vperm.xlane v3, v0;
	_ =	sdelay $0x1  }
0x131: {  	v3 =	vperm.xlane v3, v2;
	v4 =	vadd.s32 v1, v4;
	_ =	sdelay $0x1  }
0x132: {  	v3 =	vadd.s32 v1, v3;
	_ =	sdelay $0x2  }
0x133: {  	[tilespmem:s14], [sflag:$0x1] =	stream.indirect_vreg.gather [hbm4b:s2+s4], $0x80, v4, vm0, $0xb8;
	[tilespmem:$0x8080] =	vst v63  }
0x134: {  	_ = 	snop  }
0x135: {  	[tilespmem:s15], [sflag:$0x1] =	stream.indirect_vreg.gather [hbm4b:s2+s4], $0x80, v3, vm0, $0xb8;
	[tilespmem:$0x8080] =	vst v63  }
0x136: {  	v3 =	vld [tilespmem:$0x10];
	_ =	sdelay $0x4  }
0x137: {  	v57 =	vshll.u32 v3, $0x1  }
0x138: {  	v3 =	vand.u32 $0x7, v3;
	v4 =	vand.u32 $0xFFFFFFF0, v57  }
0x139: {  	v3 =	vor.u32 v3, v4  }
0x13a: {  	v4 =	vperm.xlane v3, v0;
	_ =	sdelay $0x1  }
0x13b: {  	v3 =	vperm.xlane v3, v2;
	v4 =	vadd.s32 v1, v4;
	_ =	sdelay $0x1  }
0x13c: {  	v3 =	vadd.s32 v1, v3;
	_ =	sdelay $0x2  }
0x13d: {  	[tilespmem:s16], [sflag:$0x1] =	stream.indirect_vreg.gather [hbm4b:s2+s4], $0x80, v4, vm0, $0xb8;
	[tilespmem:$0x8080] =	vst v63  }
0x13e: {  	_ = 	snop  }
0x13f: {  	[tilespmem:s17], [sflag:$0x1] =	stream.indirect_vreg.gather [hbm4b:s2+s4], $0x80, v3, vm0, $0xb8;
	[tilespmem:$0x8080] =	vst v63  }
0x140: {  	v3 =	vld [tilespmem:$0x20];
	_ =	sdelay $0x4  }
0x141: {  	v58 =	vshll.u32 v3, $0x1  }
0x142: {  	v3 =	vand.u32 $0x7, v3;
	v4 =	vand.u32 $0xFFFFFFF0, v58  }
0x143: {  	v3 =	vor.u32 v3, v4  }
0x144: {  	v4 =	vperm.xlane v3, v0;
	_ =	sdelay $0x1  }
0x145: {  	v3 =	vperm.xlane v3, v2;
	v4 =	vadd.s32 v1, v4;
	_ =	sdelay $0x1  }
0x146: {  	v3 =	vadd.s32 v1, v3;
	_ =	sdelay $0x2  }
0x147: {  	[tilespmem:s18], [sflag:$0x1] =	stream.indirect_vreg.gather [hbm4b:s2+s4], $0x80, v4, vm0, $0xb8;
	[tilespmem:$0x8080] =	vst v63  }
0x148: {  	_ = 	snop  }
0x149: {  	[tilespmem:s19], [sflag:$0x1] =	stream.indirect_vreg.gather [hbm4b:s2+s4], $0x80, v3, vm0, $0xb8;
	[tilespmem:$0x8080] =	vst v63  }
0x14a: {  	v3 =	vld [tilespmem:$0x30];
	_ =	sdelay $0x4  }
0x14b: {  	v59 =	vshll.u32 v3, $0x1  }
0x14c: {  	v3 =	vand.u32 $0x7, v3;
	v4 =	vand.u32 $0xFFFFFFF0, v59  }
0x14d: {  	v3 =	vor.u32 v3, v4  }
0x14e: {  	v4 =	vperm.xlane v3, v0;
	_ =	sdelay $0x1  }
0x14f: {  	v3 =	vperm.xlane v3, v2;
	v4 =	vadd.s32 v1, v4;
	_ =	sdelay $0x1  }
0x150: {  	v3 =	vadd.s32 v1, v3;
	_ =	sdelay $0x2  }
0x151: {  	[tilespmem:s20], [sflag:$0x1] =	stream.indirect_vreg.gather [hbm4b:s2+s4], $0x80, v4, vm0, $0xb8;
	[tilespmem:$0x8080] =	vst v63  }
0x152: {  	_ = 	snop  }
0x153: {  	[tilespmem:s21], [sflag:$0x1] =	stream.indirect_vreg.gather [hbm4b:s2+s4], $0x80, v3, vm0, $0xb8;
	[tilespmem:$0x8080] =	vst v63  }
0x154: {  	v3 =	vld [tilespmem:$0x40];
	_ =	sdelay $0x4  }
0x155: {  	v60 =	vshll.u32 v3, $0x1  }
0x156: {  	v3 =	vand.u32 $0x7, v3;
	v4 =	vand.u32 $0xFFFFFFF0, v60  }
0x157: {  	v3 =	vor.u32 v3, v4  }
0x158: {  	v4 =	vperm.xlane v3, v0;
	_ =	sdelay $0x1  }
0x159: {  	v3 =	vperm.xlane v3, v2;
	v4 =	vadd.s32 v1, v4;
	_ =	sdelay $0x1  }
0x15a: {  	v3 =	vadd.s32 v1, v3;
	_ =	sdelay $0x2  }
0x15b: {  	[tilespmem:s22], [sflag:$0x1] =	stream.indirect_vreg.gather [hbm4b:s2+s4], $0x80, v4, vm0, $0xb8;
	[tilespmem:$0x8080] =	vst v63  }
0x15c: {  	_ = 	snop  }
0x15d: {  	[tilespmem:s23], [sflag:$0x1] =	stream.indirect_vreg.gather [hbm4b:s2+s4], $0x80, v3, vm0, $0xb8;
	[tilespmem:$0x8080] =	vst v63  }
0x15e: {  	v3 =	vld [tilespmem:$0x50];
	_ =	sdelay $0x4  }
0x15f: {  	v61 =	vshll.u32 v3, $0x1  }
0x160: {  	v3 =	vand.u32 $0x7, v3;
	v4 =	vand.u32 $0xFFFFFFF0, v61  }
0x161: {  	v3 =	vor.u32 v3, v4  }
0x162: {  	v4 =	vperm.xlane v3, v0;
	_ =	sdelay $0x1  }
0x163: {  	v3 =	vperm.xlane v3, v2;
	v4 =	vadd.s32 v1, v4;
	_ =	sdelay $0x1  }
0x164: {  	v3 =	vadd.s32 v1, v3;
	_ =	sdelay $0x2  }
0x165: {  	[tilespmem:s24], [sflag:$0x1] =	stream.indirect_vreg.gather [hbm4b:s2+s4], $0x80, v4, vm0, $0xb8;
	[tilespmem:$0x8080] =	vst v63  }
0x166: {  	_ = 	snop  }
0x167: {  	[tilespmem:s25], [sflag:$0x1] =	stream.indirect_vreg.gather [hbm4b:s2+s4], $0x80, v3, vm0, $0xb8;
	[tilespmem:$0x8080] =	vst v63  }
0x168: {  	v3 =	vld [tilespmem:$0x60];
	_ =	sdelay $0x4  }
0x169: {  	v62 =	vshll.u32 v3, $0x1  }
0x16a: {  	v3 =	vand.u32 $0x7, v3;
	v4 =	vand.u32 $0xFFFFFFF0, v62  }
0x16b: {  	v3 =	vor.u32 v3, v4  }
0x16c: {  	v4 =	vperm.xlane v3, v0;
	_ =	sdelay $0x1  }
0x16d: {  	v3 =	vperm.xlane v3, v2;
	v4 =	vadd.s32 v1, v4;
	_ =	sdelay $0x1  }
0x16e: {  	v3 =	vadd.s32 v1, v3;
	_ =	sdelay $0x2  }
0x16f: {  	[tilespmem:s26], [sflag:$0x1] =	stream.indirect_vreg.gather [hbm4b:s2+s4], $0x80, v4, vm0, $0xb8;
	[tilespmem:$0x8080] =	vst v63  }
0x170: {  	_ = 	snop  }
0x171: {  	[tilespmem:s28], [sflag:$0x1] =	stream.indirect_vreg.gather [hbm4b:s2+s4], $0x80, v3, vm0, $0xb8;
	[tilespmem:$0x8080] =	vst v63  }
0x172: {  	v3 =	vld [tilespmem:$0x70];
	_ =	sdelay $0x4  }
0x173: {  	v63 =	vshll.u32 v3, $0x1  }
0x174: {  	v3 =	vand.u32 $0x7, v3;
	v4 =	vand.u32 $0xFFFFFFF0, v63  }
0x175: {  	v3 =	vor.u32 v3, v4  }
0x176: {  	v4 =	vperm.xlane v3, v0;
	_ =	sdelay $0x1  }
0x177: {  	v3 =	vperm.xlane v3, v2;
	v4 =	vadd.s32 v1, v4;
	_ =	sdelay $0x1  }
0x178: {  	v3 =	vadd.s32 v1, v3;
	_ =	sdelay $0x2  }
0x179: {  	[tilespmem:s29], [sflag:$0x1] =	stream.indirect_vreg.gather [hbm4b:s2+s4], $0x80, v4, vm0, $0xb8;
	[tilespmem:$0x8080] =	vst v63  }
0x17a: {  	_ = 	snop  }
0x17b: {  	[tilespmem:s30], [sflag:$0x1] =	stream.indirect_vreg.gather [hbm4b:s2+s4], $0x80, v3, vm0, $0xb8;
	[tilespmem:$0x8080] =	vst v63  }
0x17c: {  	_ =	swait.ge [sflag:s31], $0x8000  }
0x17d: {  	p0 =	sne.s32 s12, $0x1;
	[sflag:s31] =	ssyncset.done $0x0  }
.Ltmp0:
0x17e: {  	[sflag:s31] =	ssyncadd.s32 $0xFFFF8000;
	(pc) =	sbr.rel @p0 .LBB2_1-.Ltmp0, $4  }
0x17f: {  	[hbm4b:s11+s4] =	stream.linear.scatter [tilespmem:s14], [sflag:$0x2], $0x8000, $0x38;
	[tilespmem:$0x8080] =	vst v63  }
0x180: {  	_ =	swait.ge [sflag:s13], $0x8000  }
0x181: {  	[sflag:s13] =	ssyncset.done $0x0  }
0x182: {  	s12 =	sadd.s32 $0xFFFFFFFF, s12;
	[sflag:s13] =	ssyncadd.s32 $0xFFFF8000  }
0x183: {  	_ =	sfence.sel $0x180000  }
0x184: {  	[bflag:$0x0] =	sbarrier.arrive $0xFFFF  }
0x185: {  	_ =	strace $0x90000047  }
0x186: {  	[bflag:$0x2] =	sbarrier.arrive $0xFFFF  }
0x187: {  	p0 =	sne.s32 s3, $0x0;
	s0 =	rddreg [dreg:$0x6]  }
0x188: {  	s0 =	sadd.s32 @!p0 $0x100000, s0  }
0x189: {  	[sflag:s0] =	ssyncadd.tile.s32 @!p0 $0x1;
	_ =	shalt  }
.Lfunc_end2:
_tile_overlayer_lowered:
.L_overlay_start_2:
0x18a: {  	(tag) =	ssettag $0x2  }
0x18b: {  	s0 =	rddreg [dreg:$0x0];
	s2 =	stileid.u32  }
0x18c: {  	s1 =	rddreg [dreg:$0x1];
	p0 =	sne.s32 s2, $0x0  }
0x18d: {  	s3 =	rddreg [dreg:$0x2];
	[bflag:$0x3] =	sbarrier.arrive $0xFFFF;
	s2 =	simm.s32 @!p0 $0x1C02  }
0x18e: {  	[timem:s3], [sflag:s2] =	dma.local @!p0 [hbm:s0], s1  }
0x18f: {  	s0 =	simm.s32 @!p0 $0x2  }
0x190: {  	_ =	swait.ge @!p0 [sflag:s0], s1  }
0x191: {  	s1 =	ssub.s32 @!p0 $0x0, s1;
	[sflag:s0] =	ssyncset.done @!p0 $0x0  }
0x192: {  	[sflag:s0] =	ssyncadd.s32 @!p0 s1  }
0x193: {  	[bflag:$0x3] =	sbarrier.arrive $0xFFFF  }
0x194: {  	_ =	shalt  }

</sc_bundles>
